<compile_context>
chip_gen: v7x
topology: tpu7x:2x2x1
jax: 0.10.2.dev20260603
libtpu: 0.0.44.dev20260713+nightly
codegen_flags: <defaults>
</compile_context>

<pallas_src>
import functools

import jax
import jax.numpy as jnp
import numpy as np
from jax import lax
from jax.experimental import pallas as pl
from jax.experimental.pallas import tpu as pltpu
from jax.experimental.pallas import tpu_sc as plsc

_PERM = (22, 18, 6, 26, 21, 27, 10, 20, 24, 4, 31, 14, 0, 3, 5, 17,
         28, 2, 23, 1, 8, 16, 30, 7, 19, 15, 9, 13, 11, 25, 12, 29)

_BS = 32
_ROW = 160000


def _perm_lookup(w):
    src = jnp.int32(_PERM[0])
    for j in range(1, _BS):
        src = jnp.where(w == j, jnp.int32(_PERM[j]), src)
    return src


_MESH = plsc.VectorSubcoreMesh(core_axis_name="c", subcore_axis_name="s")

_CH = 20000
_CPR = _ROW // _CH
_NBUF = 4


@functools.partial(
    pl.kernel,
    out_type=jax.ShapeDtypeStruct((2 * _BS * _ROW,), jnp.float32),
    mesh=_MESH,
    scratch_types=[
        pltpu.VMEM((_CH,), jnp.float32),
        pltpu.VMEM((_CH,), jnp.float32),
        pltpu.VMEM((_CH,), jnp.float32),
        pltpu.VMEM((_CH,), jnp.float32),
        pltpu.SemaphoreType.DMA,
        pltpu.SemaphoreType.DMA,
        pltpu.SemaphoreType.DMA,
        pltpu.SemaphoreType.DMA,
        pltpu.SemaphoreType.DMA,
        pltpu.SemaphoreType.DMA,
        pltpu.SemaphoreType.DMA,
        pltpu.SemaphoreType.DMA,
    ],
)
def _remix_sc(src_hbm, out_hbm, buf0, buf1, buf2, buf3,
              ls0, ls1, ls2, ls3, ss0, ss1, ss2, ss3):
    w = lax.axis_index("s") * 2 + lax.axis_index("c")
    src_row = _perm_lookup(w)

    bufs = (buf0, buf1, buf2, buf3)
    lsems = (ls0, ls1, ls2, ls3)
    ssems = (ss0, ss1, ss2, ss3)

    tasks = []
    for c in range(_CPR):
        tasks.append((src_row * _ROW + c * _CH, w * _ROW + c * _CH))
    for c in range(_CPR):
        off = (_BS + w) * _ROW + c * _CH
        tasks.append((off, off))

    def start_load(i):
        b = i % _NBUF
        return pltpu.async_copy(
            src_hbm.at[pl.ds(tasks[i][0], _CH)], bufs[b], lsems[b])

    def start_store(i):
        b = i % _NBUF
        return pltpu.async_copy(
            bufs[b], out_hbm.at[pl.ds(tasks[i][1], _CH)], ssems[b])

    n = len(tasks)
    loads = [None] * n
    stores = [None] * n
    for j in range(_NBUF - 1):
        loads[j] = start_load(j)
    for i in range(n):
        j = i + _NBUF - 1
        if j < n:
            if j >= _NBUF:
                stores[j - _NBUF].wait()
            loads[j] = start_load(j)
        loads[i].wait()
        stores[i] = start_store(i)
    for i in range(n - _NBUF, n):
        stores[i].wait()


def kernel(sources):
    flat = sources.reshape(2 * _BS * _ROW)
    out = _remix_sc(flat)
    return out.reshape(2, _BS, 1, _ROW)

# --- scband reference (transcript-rebuilt; emitter-appended) ---
"""Pipeline reference for scband-remix-38036230374044 (READ-ONLY COPY).

The authoritative reference and input builder live on the scoring server;
editing this copy changes nothing except your own understanding.
"""

import jax, jax.numpy as jnp
import numpy as np


def setup_inputs(seed: int = 0) -> dict:
    key = jax.random.key(seed)
    sources = jax.random.normal(key, (2, 32, 1, 160000), dtype=jnp.float32)
    return {"sources": sources}


def reference(sources):
    # Remix: permute the noise across the batch dimension, keep clean as-is.
    noise = sources[0]
    clean = sources[1]
    bs = noise.shape[0]
    # torch: perm = th.argsort(th.rand(bs), dim=0) -> a random permutation of [0, bs)
    perm_key = jax.random.key(42)
    perm = jnp.argsort(jax.random.uniform(perm_key, (bs,)))
    return jnp.stack([noise[perm], clean])

if __name__ == "__main__":
    import jax
    _d = setup_inputs()
    print(jax.jit(kernel)(*tuple(_d.values())))

</pallas_src>

<mosaic_0001>
#map = affine_map<(d0, d1) -> (0)>
module attributes {stable_mosaic.version = 14 : i64} {
  func.func @_remix_sc(%arg0: i32, %arg1: i32, %arg2: memref<10240000xf32, #tpu.memory_space<hbm>>, %arg3: memref<10240000xf32, #tpu.memory_space<hbm>>, %arg4: memref<20000xf32, #tpu.memory_space<vmem>>, %arg5: memref<20000xf32, #tpu.memory_space<vmem>>, %arg6: memref<20000xf32, #tpu.memory_space<vmem>>, %arg7: memref<20000xf32, #tpu.memory_space<vmem>>, %arg8: memref<!tpu.dma_semaphore, #tpu.memory_space<semaphore_mem>>, %arg9: memref<!tpu.dma_semaphore, #tpu.memory_space<semaphore_mem>>, %arg10: memref<!tpu.dma_semaphore, #tpu.memory_space<semaphore_mem>>, %arg11: memref<!tpu.dma_semaphore, #tpu.memory_space<semaphore_mem>>, %arg12: memref<!tpu.dma_semaphore, #tpu.memory_space<semaphore_mem>>, %arg13: memref<!tpu.dma_semaphore, #tpu.memory_space<semaphore_mem>>, %arg14: memref<!tpu.dma_semaphore, #tpu.memory_space<semaphore_mem>>, %arg15: memref<!tpu.dma_semaphore, #tpu.memory_space<semaphore_mem>>) attributes {dimension_semantics = [#tpu.dimension_semantics<core_parallel>, #tpu.dimension_semantics<subcore_parallel>], iteration_bounds = array<i64: 2, 16>, scalar_prefetch = 0 : i64, scratch_operands = 12 : i64, tpu.core_type = #tpu.core_type<sc_vector_subcore>, window_params = [{transform_indices = #map}, {transform_indices = #map}]} {
    %mul3A = arith.constant 2 : i32
    %mul3A_0 = arith.muli %arg1, %mul3A : i32
    %add3A = arith.addi %mul3A_0, %arg0 : i32
    %eq3A = arith.constant 1 : i32
    %eq3A_1 = arith.cmpi eq, %add3A, %eq3A : i32
    %jit3A = arith.constant 18 : i32
    %jit3A_2 = arith.constant 22 : i32
    %select_n3A = arith.select %eq3A_1, %jit3A, %jit3A_2 : i32
    %eq3A_3 = arith.constant 2 : i32
    %eq3A_4 = arith.cmpi eq, %add3A, %eq3A_3 : i32
    %jit3A_5 = arith.constant 6 : i32
    %select_n3A_6 = arith.select %eq3A_4, %jit3A_5, %select_n3A : i32
    %eq3A_7 = arith.constant 3 : i32
    %eq3A_8 = arith.cmpi eq, %add3A, %eq3A_7 : i32
    %jit3A_9 = arith.constant 26 : i32
    %select_n3A_10 = arith.select %eq3A_8, %jit3A_9, %select_n3A_6 : i32
    %eq3A_11 = arith.constant 4 : i32
    %eq3A_12 = arith.cmpi eq, %add3A, %eq3A_11 : i32
    %jit3A_13 = arith.constant 21 : i32
    %select_n3A_14 = arith.select %eq3A_12, %jit3A_13, %select_n3A_10 : i32
    %eq3A_15 = arith.constant 5 : i32
    %eq3A_16 = arith.cmpi eq, %add3A, %eq3A_15 : i32
    %jit3A_17 = arith.constant 27 : i32
    %select_n3A_18 = arith.select %eq3A_16, %jit3A_17, %select_n3A_14 : i32
    %eq3A_19 = arith.constant 6 : i32
    %eq3A_20 = arith.cmpi eq, %add3A, %eq3A_19 : i32
    %jit3A_21 = arith.constant 10 : i32
    %select_n3A_22 = arith.select %eq3A_20, %jit3A_21, %select_n3A_18 : i32
    %eq3A_23 = arith.constant 7 : i32
    %eq3A_24 = arith.cmpi eq, %add3A, %eq3A_23 : i32
    %jit3A_25 = arith.constant 20 : i32
    %select_n3A_26 = arith.select %eq3A_24, %jit3A_25, %select_n3A_22 : i32
    %eq3A_27 = arith.constant 8 : i32
    %eq3A_28 = arith.cmpi eq, %add3A, %eq3A_27 : i32
    %jit3A_29 = arith.constant 24 : i32
    %select_n3A_30 = arith.select %eq3A_28, %jit3A_29, %select_n3A_26 : i32
    %eq3A_31 = arith.constant 9 : i32
    %eq3A_32 = arith.cmpi eq, %add3A, %eq3A_31 : i32
    %jit3A_33 = arith.constant 4 : i32
    %select_n3A_34 = arith.select %eq3A_32, %jit3A_33, %select_n3A_30 : i32
    %eq3A_35 = arith.constant 10 : i32
    %eq3A_36 = arith.cmpi eq, %add3A, %eq3A_35 : i32
    %jit3A_37 = arith.constant 31 : i32
    %select_n3A_38 = arith.select %eq3A_36, %jit3A_37, %select_n3A_34 : i32
    %eq3A_39 = arith.constant 11 : i32
    %eq3A_40 = arith.cmpi eq, %add3A, %eq3A_39 : i32
    %jit3A_41 = arith.constant 14 : i32
    %select_n3A_42 = arith.select %eq3A_40, %jit3A_41, %select_n3A_38 : i32
    %eq3A_43 = arith.constant 12 : i32
    %eq3A_44 = arith.cmpi eq, %add3A, %eq3A_43 : i32
    %jit3A_45 = arith.constant 0 : i32
    %select_n3A_46 = arith.select %eq3A_44, %jit3A_45, %select_n3A_42 : i32
    %eq3A_47 = arith.constant 13 : i32
    %eq3A_48 = arith.cmpi eq, %add3A, %eq3A_47 : i32
    %jit3A_49 = arith.constant 3 : i32
    %select_n3A_50 = arith.select %eq3A_48, %jit3A_49, %select_n3A_46 : i32
    %eq3A_51 = arith.constant 14 : i32
    %eq3A_52 = arith.cmpi eq, %add3A, %eq3A_51 : i32
    %jit3A_53 = arith.constant 5 : i32
    %select_n3A_54 = arith.select %eq3A_52, %jit3A_53, %select_n3A_50 : i32
    %eq3A_55 = arith.constant 15 : i32
    %eq3A_56 = arith.cmpi eq, %add3A, %eq3A_55 : i32
    %jit3A_57 = arith.constant 17 : i32
    %select_n3A_58 = arith.select %eq3A_56, %jit3A_57, %select_n3A_54 : i32
    %eq3A_59 = arith.constant 16 : i32
    %eq3A_60 = arith.cmpi eq, %add3A, %eq3A_59 : i32
    %jit3A_61 = arith.constant 28 : i32
    %select_n3A_62 = arith.select %eq3A_60, %jit3A_61, %select_n3A_58 : i32
    %eq3A_63 = arith.constant 17 : i32
    %eq3A_64 = arith.cmpi eq, %add3A, %eq3A_63 : i32
    %jit3A_65 = arith.constant 2 : i32
    %select_n3A_66 = arith.select %eq3A_64, %jit3A_65, %select_n3A_62 : i32
    %eq3A_67 = arith.constant 18 : i32
    %eq3A_68 = arith.cmpi eq, %add3A, %eq3A_67 : i32
    %jit3A_69 = arith.constant 23 : i32
    %select_n3A_70 = arith.select %eq3A_68, %jit3A_69, %select_n3A_66 : i32
    %eq3A_71 = arith.constant 19 : i32
    %eq3A_72 = arith.cmpi eq, %add3A, %eq3A_71 : i32
    %jit3A_73 = arith.constant 1 : i32
    %select_n3A_74 = arith.select %eq3A_72, %jit3A_73, %select_n3A_70 : i32
    %eq3A_75 = arith.constant 20 : i32
    %eq3A_76 = arith.cmpi eq, %add3A, %eq3A_75 : i32
    %jit3A_77 = arith.constant 8 : i32
    %select_n3A_78 = arith.select %eq3A_76, %jit3A_77, %select_n3A_74 : i32
    %eq3A_79 = arith.constant 21 : i32
    %eq3A_80 = arith.cmpi eq, %add3A, %eq3A_79 : i32
    %jit3A_81 = arith.constant 16 : i32
    %select_n3A_82 = arith.select %eq3A_80, %jit3A_81, %select_n3A_78 : i32
    %eq3A_83 = arith.constant 22 : i32
    %eq3A_84 = arith.cmpi eq, %add3A, %eq3A_83 : i32
    %jit3A_85 = arith.constant 30 : i32
    %select_n3A_86 = arith.select %eq3A_84, %jit3A_85, %select_n3A_82 : i32
    %eq3A_87 = arith.constant 23 : i32
    %eq3A_88 = arith.cmpi eq, %add3A, %eq3A_87 : i32
    %jit3A_89 = arith.constant 7 : i32
    %select_n3A_90 = arith.select %eq3A_88, %jit3A_89, %select_n3A_86 : i32
    %eq3A_91 = arith.constant 24 : i32
    %eq3A_92 = arith.cmpi eq, %add3A, %eq3A_91 : i32
    %jit3A_93 = arith.constant 19 : i32
    %select_n3A_94 = arith.select %eq3A_92, %jit3A_93, %select_n3A_90 : i32
    %eq3A_95 = arith.constant 25 : i32
    %eq3A_96 = arith.cmpi eq, %add3A, %eq3A_95 : i32
    %jit3A_97 = arith.constant 15 : i32
    %select_n3A_98 = arith.select %eq3A_96, %jit3A_97, %select_n3A_94 : i32
    %eq3A_99 = arith.constant 26 : i32
    %eq3A_100 = arith.cmpi eq, %add3A, %eq3A_99 : i32
    %jit3A_101 = arith.constant 9 : i32
    %select_n3A_102 = arith.select %eq3A_100, %jit3A_101, %select_n3A_98 : i32
    %eq3A_103 = arith.constant 27 : i32
    %eq3A_104 = arith.cmpi eq, %add3A, %eq3A_103 : i32
    %jit3A_105 = arith.constant 13 : i32
    %select_n3A_106 = arith.select %eq3A_104, %jit3A_105, %select_n3A_102 : i32
    %eq3A_107 = arith.constant 28 : i32
    %eq3A_108 = arith.cmpi eq, %add3A, %eq3A_107 : i32
    %jit3A_109 = arith.constant 11 : i32
    %select_n3A_110 = arith.select %eq3A_108, %jit3A_109, %select_n3A_106 : i32
    %eq3A_111 = arith.constant 29 : i32
    %eq3A_112 = arith.cmpi eq, %add3A, %eq3A_111 : i32
    %jit3A_113 = arith.constant 25 : i32
    %select_n3A_114 = arith.select %eq3A_112, %jit3A_113, %select_n3A_110 : i32
    %eq3A_115 = arith.constant 30 : i32
    %eq3A_116 = arith.cmpi eq, %add3A, %eq3A_115 : i32
    %jit3A_117 = arith.constant 12 : i32
    %select_n3A_118 = arith.select %eq3A_116, %jit3A_117, %select_n3A_114 : i32
    %eq3A_119 = arith.constant 31 : i32
    %eq3A_120 = arith.cmpi eq, %add3A, %eq3A_119 : i32
    %jit3A_121 = arith.constant 29 : i32
    %select_n3A_122 = arith.select %eq3A_120, %jit3A_121, %select_n3A_118 : i32
    %mul3A_123 = arith.constant 160000 : i32
    %mul3A_124 = arith.muli %select_n3A_122, %mul3A_123 : i32
    %add3A_125 = arith.constant 0 : i32
    %add3A_126 = arith.addi %mul3A_124, %add3A_125 : i32
    %mul3A_127 = arith.constant 160000 : i32
    %mul3A_128 = arith.muli %add3A, %mul3A_127 : i32
    %add3A_129 = arith.constant 0 : i32
    %add3A_130 = arith.addi %mul3A_128, %add3A_129 : i32
    %mul3A_131 = arith.constant 160000 : i32
    %mul3A_132 = arith.muli %select_n3A_122, %mul3A_131 : i32
    %add3A_133 = arith.constant 20000 : i32
    %add3A_134 = arith.addi %mul3A_132, %add3A_133 : i32
    %mul3A_135 = arith.constant 160000 : i32
    %mul3A_136 = arith.muli %add3A, %mul3A_135 : i32
    %add3A_137 = arith.constant 20000 : i32
    %add3A_138 = arith.addi %mul3A_136, %add3A_137 : i32
    %mul3A_139 = arith.constant 160000 : i32
    %mul3A_140 = arith.muli %select_n3A_122, %mul3A_139 : i32
    %add3A_141 = arith.constant 40000 : i32
    %add3A_142 = arith.addi %mul3A_140, %add3A_141 : i32
    %mul3A_143 = arith.constant 160000 : i32
    %mul3A_144 = arith.muli %add3A, %mul3A_143 : i32
    %add3A_145 = arith.constant 40000 : i32
    %add3A_146 = arith.addi %mul3A_144, %add3A_145 : i32
    %mul3A_147 = arith.constant 160000 : i32
    %mul3A_148 = arith.muli %select_n3A_122, %mul3A_147 : i32
    %add3A_149 = arith.constant 60000 : i32
    %add3A_150 = arith.addi %mul3A_148, %add3A_149 : i32
    %mul3A_151 = arith.constant 160000 : i32
    %mul3A_152 = arith.muli %add3A, %mul3A_151 : i32
    %add3A_153 = arith.constant 60000 : i32
    %add3A_154 = arith.addi %mul3A_152, %add3A_153 : i32
    %mul3A_155 = arith.constant 160000 : i32
    %mul3A_156 = arith.muli %select_n3A_122, %mul3A_155 : i32
    %add3A_157 = arith.constant 80000 : i32
    %add3A_158 = arith.addi %mul3A_156, %add3A_157 : i32
    %mul3A_159 = arith.constant 160000 : i32
    %mul3A_160 = arith.muli %add3A, %mul3A_159 : i32
    %add3A_161 = arith.constant 80000 : i32
    %add3A_162 = arith.addi %mul3A_160, %add3A_161 : i32
    %mul3A_163 = arith.constant 160000 : i32
    %mul3A_164 = arith.muli %select_n3A_122, %mul3A_163 : i32
    %add3A_165 = arith.constant 100000 : i32
    %add3A_166 = arith.addi %mul3A_164, %add3A_165 : i32
    %mul3A_167 = arith.constant 160000 : i32
    %mul3A_168 = arith.muli %add3A, %mul3A_167 : i32
    %add3A_169 = arith.constant 100000 : i32
    %add3A_170 = arith.addi %mul3A_168, %add3A_169 : i32
    %mul3A_171 = arith.constant 160000 : i32
    %mul3A_172 = arith.muli %select_n3A_122, %mul3A_171 : i32
    %add3A_173 = arith.constant 120000 : i32
    %add3A_174 = arith.addi %mul3A_172, %add3A_173 : i32
    %mul3A_175 = arith.constant 160000 : i32
    %mul3A_176 = arith.muli %add3A, %mul3A_175 : i32
    %add3A_177 = arith.constant 120000 : i32
    %add3A_178 = arith.addi %mul3A_176, %add3A_177 : i32
    %mul3A_179 = arith.constant 160000 : i32
    %mul3A_180 = arith.muli %select_n3A_122, %mul3A_179 : i32
    %add3A_181 = arith.constant 140000 : i32
    %add3A_182 = arith.addi %mul3A_180, %add3A_181 : i32
    %mul3A_183 = arith.constant 160000 : i32
    %mul3A_184 = arith.muli %add3A, %mul3A_183 : i32
    %add3A_185 = arith.constant 140000 : i32
    %add3A_186 = arith.addi %mul3A_184, %add3A_185 : i32
    %add3A_187 = arith.constant 32 : i32
    %add3A_188 = arith.addi %add3A_187, %add3A : i32
    %mul3A_189 = arith.constant 160000 : i32
    %mul3A_190 = arith.muli %add3A_188, %mul3A_189 : i32
    %add3A_191 = arith.constant 0 : i32
    %add3A_192 = arith.addi %mul3A_190, %add3A_191 : i32
    %add3A_193 = arith.constant 32 : i32
    %add3A_194 = arith.addi %add3A_193, %add3A : i32
    %mul3A_195 = arith.constant 160000 : i32
    %mul3A_196 = arith.muli %add3A_194, %mul3A_195 : i32
    %add3A_197 = arith.constant 20000 : i32
    %add3A_198 = arith.addi %mul3A_196, %add3A_197 : i32
    %add3A_199 = arith.constant 32 : i32
    %add3A_200 = arith.addi %add3A_199, %add3A : i32
    %mul3A_201 = arith.constant 160000 : i32
    %mul3A_202 = arith.muli %add3A_200, %mul3A_201 : i32
    %add3A_203 = arith.constant 40000 : i32
    %add3A_204 = arith.addi %mul3A_202, %add3A_203 : i32
    %add3A_205 = arith.constant 32 : i32
    %add3A_206 = arith.addi %add3A_205, %add3A : i32
    %mul3A_207 = arith.constant 160000 : i32
    %mul3A_208 = arith.muli %add3A_206, %mul3A_207 : i32
    %add3A_209 = arith.constant 60000 : i32
    %add3A_210 = arith.addi %mul3A_208, %add3A_209 : i32
    %add3A_211 = arith.constant 32 : i32
    %add3A_212 = arith.addi %add3A_211, %add3A : i32
    %mul3A_213 = arith.constant 160000 : i32
    %mul3A_214 = arith.muli %add3A_212, %mul3A_213 : i32
    %add3A_215 = arith.constant 80000 : i32
    %add3A_216 = arith.addi %mul3A_214, %add3A_215 : i32
    %add3A_217 = arith.constant 32 : i32
    %add3A_218 = arith.addi %add3A_217, %add3A : i32
    %mul3A_219 = arith.constant 160000 : i32
    %mul3A_220 = arith.muli %add3A_218, %mul3A_219 : i32
    %add3A_221 = arith.constant 100000 : i32
    %add3A_222 = arith.addi %mul3A_220, %add3A_221 : i32
    %add3A_223 = arith.constant 32 : i32
    %add3A_224 = arith.addi %add3A_223, %add3A : i32
    %mul3A_225 = arith.constant 160000 : i32
    %mul3A_226 = arith.muli %add3A_224, %mul3A_225 : i32
    %add3A_227 = arith.constant 120000 : i32
    %add3A_228 = arith.addi %mul3A_226, %add3A_227 : i32
    %add3A_229 = arith.constant 32 : i32
    %add3A_230 = arith.addi %add3A_229, %add3A : i32
    %mul3A_231 = arith.constant 160000 : i32
    %mul3A_232 = arith.muli %add3A_230, %mul3A_231 : i32
    %add3A_233 = arith.constant 140000 : i32
    %add3A_234 = arith.addi %mul3A_232, %add3A_233 : i32
    %dma_start3A = tpu.memref_slice %arg2[%add3A_126] : memref<10240000xf32, #tpu.memory_space<hbm>> -> memref<20000xf32, #tpu.memory_space<hbm>>
    %dma_start3A_235 = tpu.memref_slice %arg2[%add3A_126] : memref<10240000xf32, #tpu.memory_space<hbm>> -> memref<20000xf32, #tpu.memory_space<hbm>>
    tpu.enqueue_dma source(%dma_start3A_235 : memref<20000xf32, #tpu.memory_space<hbm>>) target(%arg4 : memref<20000xf32, #tpu.memory_space<vmem>>) target_semaphore(%arg8 : memref<!tpu.dma_semaphore, #tpu.memory_space<semaphore_mem>>)
    %dma_start3A_236 = tpu.memref_slice %arg2[%add3A_134] : memref<10240000xf32, #tpu.memory_space<hbm>> -> memref<20000xf32, #tpu.memory_space<hbm>>
    %dma_start3A_237 = tpu.memref_slice %arg2[%add3A_134] : memref<10240000xf32, #tpu.memory_space<hbm>> -> memref<20000xf32, #tpu.memory_space<hbm>>
    tpu.enqueue_dma source(%dma_start3A_237 : memref<20000xf32, #tpu.memory_space<hbm>>) target(%arg5 : memref<20000xf32, #tpu.memory_space<vmem>>) target_semaphore(%arg9 : memref<!tpu.dma_semaphore, #tpu.memory_space<semaphore_mem>>)
    %dma_start3A_238 = tpu.memref_slice %arg2[%add3A_142] : memref<10240000xf32, #tpu.memory_space<hbm>> -> memref<20000xf32, #tpu.memory_space<hbm>>
    %dma_start3A_239 = tpu.memref_slice %arg2[%add3A_142] : memref<10240000xf32, #tpu.memory_space<hbm>> -> memref<20000xf32, #tpu.memory_space<hbm>>
    tpu.enqueue_dma source(%dma_start3A_239 : memref<20000xf32, #tpu.memory_space<hbm>>) target(%arg6 : memref<20000xf32, #tpu.memory_space<vmem>>) target_semaphore(%arg10 : memref<!tpu.dma_semaphore, #tpu.memory_space<semaphore_mem>>)
    %dma_start3A_240 = tpu.memref_slice %arg2[%add3A_150] : memref<10240000xf32, #tpu.memory_space<hbm>> -> memref<20000xf32, #tpu.memory_space<hbm>>
    %dma_start3A_241 = tpu.memref_slice %arg2[%add3A_150] : memref<10240000xf32, #tpu.memory_space<hbm>> -> memref<20000xf32, #tpu.memory_space<hbm>>
    tpu.enqueue_dma source(%dma_start3A_241 : memref<20000xf32, #tpu.memory_space<hbm>>) target(%arg7 : memref<20000xf32, #tpu.memory_space<vmem>>) target_semaphore(%arg11 : memref<!tpu.dma_semaphore, #tpu.memory_space<semaphore_mem>>)
    %dma_wait3A = tpu.memref_slice %arg2[%add3A_126] : memref<10240000xf32, #tpu.memory_space<hbm>> -> memref<20000xf32, #tpu.memory_space<hbm>>
    %dma_wait3A_242 = tpu.memref_slice %arg2[%add3A_126] : memref<10240000xf32, #tpu.memory_space<hbm>> -> memref<20000xf32, #tpu.memory_space<hbm>>
    tpu.wait_dma2 semaphore(%arg8 : memref<!tpu.dma_semaphore, #tpu.memory_space<semaphore_mem>>) src(%dma_wait3A_242 : memref<20000xf32, #tpu.memory_space<hbm>>) dst(%arg4 : memref<20000xf32, #tpu.memory_space<vmem>>)
    %dma_start3A_243 = tpu.memref_slice %arg3[%add3A_130] : memref<10240000xf32, #tpu.memory_space<hbm>> -> memref<20000xf32, #tpu.memory_space<hbm>>
    %dma_start3A_244 = tpu.memref_slice %arg3[%add3A_130] : memref<10240000xf32, #tpu.memory_space<hbm>> -> memref<20000xf32, #tpu.memory_space<hbm>>
    tpu.enqueue_dma source(%arg4 : memref<20000xf32, #tpu.memory_space<vmem>>) target(%dma_start3A_244 : memref<20000xf32, #tpu.memory_space<hbm>>) target_semaphore(%arg12 : memref<!tpu.dma_semaphore, #tpu.memory_space<semaphore_mem>>)
    %dma_wait3A_245 = tpu.memref_slice %arg3[%add3A_130] : memref<10240000xf32, #tpu.memory_space<hbm>> -> memref<20000xf32, #tpu.memory_space<hbm>>
    %dma_wait3A_246 = tpu.memref_slice %arg3[%add3A_130] : memref<10240000xf32, #tpu.memory_space<hbm>> -> memref<20000xf32, #tpu.memory_space<hbm>>
    tpu.wait_dma2 semaphore(%arg12 : memref<!tpu.dma_semaphore, #tpu.memory_space<semaphore_mem>>) src(%arg4 : memref<20000xf32, #tpu.memory_space<vmem>>) dst(%dma_wait3A_246 : memref<20000xf32, #tpu.memory_space<hbm>>)
    %dma_start3A_247 = tpu.memref_slice %arg2[%add3A_158] : memref<10240000xf32, #tpu.memory_space<hbm>> -> memref<20000xf32, #tpu.memory_space<hbm>>
    %dma_start3A_248 = tpu.memref_slice %arg2[%add3A_158] : memref<10240000xf32, #tpu.memory_space<hbm>> -> memref<20000xf32, #tpu.memory_space<hbm>>
    tpu.enqueue_dma source(%dma_start3A_248 : memref<20000xf32, #tpu.memory_space<hbm>>) target(%arg4 : memref<20000xf32, #tpu.memory_space<vmem>>) target_semaphore(%arg8 : memref<!tpu.dma_semaphore, #tpu.memory_space<semaphore_mem>>)
    %dma_wait3A_249 = tpu.memref_slice %arg2[%add3A_134] : memref<10240000xf32, #tpu.memory_space<hbm>> -> memref<20000xf32, #tpu.memory_space<hbm>>
    %dma_wait3A_250 = tpu.memref_slice %arg2[%add3A_134] : memref<10240000xf32, #tpu.memory_space<hbm>> -> memref<20000xf32, #tpu.memory_space<hbm>>
    tpu.wait_dma2 semaphore(%arg9 : memref<!tpu.dma_semaphore, #tpu.memory_space<semaphore_mem>>) src(%dma_wait3A_250 : memref<20000xf32, #tpu.memory_space<hbm>>) dst(%arg5 : memref<20000xf32, #tpu.memory_space<vmem>>)
    %dma_start3A_251 = tpu.memref_slice %arg3[%add3A_138] : memref<10240000xf32, #tpu.memory_space<hbm>> -> memref<20000xf32, #tpu.memory_space<hbm>>
    %dma_start3A_252 = tpu.memref_slice %arg3[%add3A_138] : memref<10240000xf32, #tpu.memory_space<hbm>> -> memref<20000xf32, #tpu.memory_space<hbm>>
    tpu.enqueue_dma source(%arg5 : memref<20000xf32, #tpu.memory_space<vmem>>) target(%dma_start3A_252 : memref<20000xf32, #tpu.memory_space<hbm>>) target_semaphore(%arg13 : memref<!tpu.dma_semaphore, #tpu.memory_space<semaphore_mem>>)
    %dma_wait3A_253 = tpu.memref_slice %arg3[%add3A_138] : memref<10240000xf32, #tpu.memory_space<hbm>> -> memref<20000xf32, #tpu.memory_space<hbm>>
    %dma_wait3A_254 = tpu.memref_slice %arg3[%add3A_138] : memref<10240000xf32, #tpu.memory_space<hbm>> -> memref<20000xf32, #tpu.memory_space<hbm>>
    tpu.wait_dma2 semaphore(%arg13 : memref<!tpu.dma_semaphore, #tpu.memory_space<semaphore_mem>>) src(%arg5 : memref<20000xf32, #tpu.memory_space<vmem>>) dst(%dma_wait3A_254 : memref<20000xf32, #tpu.memory_space<hbm>>)
    %dma_start3A_255 = tpu.memref_slice %arg2[%add3A_166] : memref<10240000xf32, #tpu.memory_space<hbm>> -> memref<20000xf32, #tpu.memory_space<hbm>>
    %dma_start3A_256 = tpu.memref_slice %arg2[%add3A_166] : memref<10240000xf32, #tpu.memory_space<hbm>> -> memref<20000xf32, #tpu.memory_space<hbm>>
    tpu.enqueue_dma source(%dma_start3A_256 : memref<20000xf32, #tpu.memory_space<hbm>>) target(%arg5 : memref<20000xf32, #tpu.memory_space<vmem>>) target_semaphore(%arg9 : memref<!tpu.dma_semaphore, #tpu.memory_space<semaphore_mem>>)
    %dma_wait3A_257 = tpu.memref_slice %arg2[%add3A_142] : memref<10240000xf32, #tpu.memory_space<hbm>> -> memref<20000xf32, #tpu.memory_space<hbm>>
    %dma_wait3A_258 = tpu.memref_slice %arg2[%add3A_142] : memref<10240000xf32, #tpu.memory_space<hbm>> -> memref<20000xf32, #tpu.memory_space<hbm>>
    tpu.wait_dma2 semaphore(%arg10 : memref<!tpu.dma_semaphore, #tpu.memory_space<semaphore_mem>>) src(%dma_wait3A_258 : memref<20000xf32, #tpu.memory_space<hbm>>) dst(%arg6 : memref<20000xf32, #tpu.memory_space<vmem>>)
    %dma_start3A_259 = tpu.memref_slice %arg3[%add3A_146] : memref<10240000xf32, #tpu.memory_space<hbm>> -> memref<20000xf32, #tpu.memory_space<hbm>>
    %dma_start3A_260 = tpu.memref_slice %arg3[%add3A_146] : memref<10240000xf32, #tpu.memory_space<hbm>> -> memref<20000xf32, #tpu.memory_space<hbm>>
    tpu.enqueue_dma source(%arg6 : memref<20000xf32, #tpu.memory_space<vmem>>) target(%dma_start3A_260 : memref<20000xf32, #tpu.memory_space<hbm>>) target_semaphore(%arg14 : memref<!tpu.dma_semaphore, #tpu.memory_space<semaphore_mem>>)
    %dma_wait3A_261 = tpu.memref_slice %arg3[%add3A_146] : memref<10240000xf32, #tpu.memory_space<hbm>> -> memref<20000xf32, #tpu.memory_space<hbm>>
    %dma_wait3A_262 = tpu.memref_slice %arg3[%add3A_146] : memref<10240000xf32, #tpu.memory_space<hbm>> -> memref<20000xf32, #tpu.memory_space<hbm>>
    tpu.wait_dma2 semaphore(%arg14 : memref<!tpu.dma_semaphore, #tpu.memory_space<semaphore_mem>>) src(%arg6 : memref<20000xf32, #tpu.memory_space<vmem>>) dst(%dma_wait3A_262 : memref<20000xf32, #tpu.memory_space<hbm>>)
    %dma_start3A_263 = tpu.memref_slice %arg2[%add3A_174] : memref<10240000xf32, #tpu.memory_space<hbm>> -> memref<20000xf32, #tpu.memory_space<hbm>>
    %dma_start3A_264 = tpu.memref_slice %arg2[%add3A_174] : memref<10240000xf32, #tpu.memory_space<hbm>> -> memref<20000xf32, #tpu.memory_space<hbm>>
    tpu.enqueue_dma source(%dma_start3A_264 : memref<20000xf32, #tpu.memory_space<hbm>>) target(%arg6 : memref<20000xf32, #tpu.memory_space<vmem>>) target_semaphore(%arg10 : memref<!tpu.dma_semaphore, #tpu.memory_space<semaphore_mem>>)
    %dma_wait3A_265 = tpu.memref_slice %arg2[%add3A_150] : memref<10240000xf32, #tpu.memory_space<hbm>> -> memref<20000xf32, #tpu.memory_space<hbm>>
    %dma_wait3A_266 = tpu.memref_slice %arg2[%add3A_150] : memref<10240000xf32, #tpu.memory_space<hbm>> -> memref<20000xf32, #tpu.memory_space<hbm>>
    tpu.wait_dma2 semaphore(%arg11 : memref<!tpu.dma_semaphore, #tpu.memory_space<semaphore_mem>>) src(%dma_wait3A_266 : memref<20000xf32, #tpu.memory_space<hbm>>) dst(%arg7 : memref<20000xf32, #tpu.memory_space<vmem>>)
    %dma_start3A_267 = tpu.memref_slice %arg3[%add3A_154] : memref<10240000xf32, #tpu.memory_space<hbm>> -> memref<20000xf32, #tpu.memory_space<hbm>>
    %dma_start3A_268 = tpu.memref_slice %arg3[%add3A_154] : memref<10240000xf32, #tpu.memory_space<hbm>> -> memref<20000xf32, #tpu.memory_space<hbm>>
    tpu.enqueue_dma source(%arg7 : memref<20000xf32, #tpu.memory_space<vmem>>) target(%dma_start3A_268 : memref<20000xf32, #tpu.memory_space<hbm>>) target_semaphore(%arg15 : memref<!tpu.dma_semaphore, #tpu.memory_space<semaphore_mem>>)
    %dma_wait3A_269 = tpu.memref_slice %arg3[%add3A_154] : memref<10240000xf32, #tpu.memory_space<hbm>> -> memref<20000xf32, #tpu.memory_space<hbm>>
    %dma_wait3A_270 = tpu.memref_slice %arg3[%add3A_154] : memref<10240000xf32, #tpu.memory_space<hbm>> -> memref<20000xf32, #tpu.memory_space<hbm>>
    tpu.wait_dma2 semaphore(%arg15 : memref<!tpu.dma_semaphore, #tpu.memory_space<semaphore_mem>>) src(%arg7 : memref<20000xf32, #tpu.memory_space<vmem>>) dst(%dma_wait3A_270 : memref<20000xf32, #tpu.memory_space<hbm>>)
    %dma_start3A_271 = tpu.memref_slice %arg2[%add3A_182] : memref<10240000xf32, #tpu.memory_space<hbm>> -> memref<20000xf32, #tpu.memory_space<hbm>>
    %dma_start3A_272 = tpu.memref_slice %arg2[%add3A_182] : memref<10240000xf32, #tpu.memory_space<hbm>> -> memref<20000xf32, #tpu.memory_space<hbm>>
    tpu.enqueue_dma source(%dma_start3A_272 : memref<20000xf32, #tpu.memory_space<hbm>>) target(%arg7 : memref<20000xf32, #tpu.memory_space<vmem>>) target_semaphore(%arg11 : memref<!tpu.dma_semaphore, #tpu.memory_space<semaphore_mem>>)
    %dma_wait3A_273 = tpu.memref_slice %arg2[%add3A_158] : memref<10240000xf32, #tpu.memory_space<hbm>> -> memref<20000xf32, #tpu.memory_space<hbm>>
    %dma_wait3A_274 = tpu.memref_slice %arg2[%add3A_158] : memref<10240000xf32, #tpu.memory_space<hbm>> -> memref<20000xf32, #tpu.memory_space<hbm>>
    tpu.wait_dma2 semaphore(%arg8 : memref<!tpu.dma_semaphore, #tpu.memory_space<semaphore_mem>>) src(%dma_wait3A_274 : memref<20000xf32, #tpu.memory_space<hbm>>) dst(%arg4 : memref<20000xf32, #tpu.memory_space<vmem>>)
    %dma_start3A_275 = tpu.memref_slice %arg3[%add3A_162] : memref<10240000xf32, #tpu.memory_space<hbm>> -> memref<20000xf32, #tpu.memory_space<hbm>>
    %dma_start3A_276 = tpu.memref_slice %arg3[%add3A_162] : memref<10240000xf32, #tpu.memory_space<hbm>> -> memref<20000xf32, #tpu.memory_space<hbm>>
    tpu.enqueue_dma source(%arg4 : memref<20000xf32, #tpu.memory_space<vmem>>) target(%dma_start3A_276 : memref<20000xf32, #tpu.memory_space<hbm>>) target_semaphore(%arg12 : memref<!tpu.dma_semaphore, #tpu.memory_space<semaphore_mem>>)
    %dma_wait3A_277 = tpu.memref_slice %arg3[%add3A_162] : memref<10240000xf32, #tpu.memory_space<hbm>> -> memref<20000xf32, #tpu.memory_space<hbm>>
    %dma_wait3A_278 = tpu.memref_slice %arg3[%add3A_162] : memref<10240000xf32, #tpu.memory_space<hbm>> -> memref<20000xf32, #tpu.memory_space<hbm>>
    tpu.wait_dma2 semaphore(%arg12 : memref<!tpu.dma_semaphore, #tpu.memory_space<semaphore_mem>>) src(%arg4 : memref<20000xf32, #tpu.memory_space<vmem>>) dst(%dma_wait3A_278 : memref<20000xf32, #tpu.memory_space<hbm>>)
    %dma_start3A_279 = tpu.memref_slice %arg2[%add3A_192] : memref<10240000xf32, #tpu.memory_space<hbm>> -> memref<20000xf32, #tpu.memory_space<hbm>>
    %dma_start3A_280 = tpu.memref_slice %arg2[%add3A_192] : memref<10240000xf32, #tpu.memory_space<hbm>> -> memref<20000xf32, #tpu.memory_space<hbm>>
    tpu.enqueue_dma source(%dma_start3A_280 : memref<20000xf32, #tpu.memory_space<hbm>>) target(%arg4 : memref<20000xf32, #tpu.memory_space<vmem>>) target_semaphore(%arg8 : memref<!tpu.dma_semaphore, #tpu.memory_space<semaphore_mem>>)
    %dma_wait3A_281 = tpu.memref_slice %arg2[%add3A_166] : memref<10240000xf32, #tpu.memory_space<hbm>> -> memref<20000xf32, #tpu.memory_space<hbm>>
    %dma_wait3A_282 = tpu.memref_slice %arg2[%add3A_166] : memref<10240000xf32, #tpu.memory_space<hbm>> -> memref<20000xf32, #tpu.memory_space<hbm>>
    tpu.wait_dma2 semaphore(%arg9 : memref<!tpu.dma_semaphore, #tpu.memory_space<semaphore_mem>>) src(%dma_wait3A_282 : memref<20000xf32, #tpu.memory_space<hbm>>) dst(%arg5 : memref<20000xf32, #tpu.memory_space<vmem>>)
    %dma_start3A_283 = tpu.memref_slice %arg3[%add3A_170] : memref<10240000xf32, #tpu.memory_space<hbm>> -> memref<20000xf32, #tpu.memory_space<hbm>>
    %dma_start3A_284 = tpu.memref_slice %arg3[%add3A_170] : memref<10240000xf32, #tpu.memory_space<hbm>> -> memref<20000xf32, #tpu.memory_space<hbm>>
    tpu.enqueue_dma source(%arg5 : memref<20000xf32, #tpu.memory_space<vmem>>) target(%dma_start3A_284 : memref<20000xf32, #tpu.memory_space<hbm>>) target_semaphore(%arg13 : memref<!tpu.dma_semaphore, #tpu.memory_space<semaphore_mem>>)
    %dma_wait3A_285 = tpu.memref_slice %arg3[%add3A_170] : memref<10240000xf32, #tpu.memory_space<hbm>> -> memref<20000xf32, #tpu.memory_space<hbm>>
    %dma_wait3A_286 = tpu.memref_slice %arg3[%add3A_170] : memref<10240000xf32, #tpu.memory_space<hbm>> -> memref<20000xf32, #tpu.memory_space<hbm>>
    tpu.wait_dma2 semaphore(%arg13 : memref<!tpu.dma_semaphore, #tpu.memory_space<semaphore_mem>>) src(%arg5 : memref<20000xf32, #tpu.memory_space<vmem>>) dst(%dma_wait3A_286 : memref<20000xf32, #tpu.memory_space<hbm>>)
    %dma_start3A_287 = tpu.memref_slice %arg2[%add3A_198] : memref<10240000xf32, #tpu.memory_space<hbm>> -> memref<20000xf32, #tpu.memory_space<hbm>>
    %dma_start3A_288 = tpu.memref_slice %arg2[%add3A_198] : memref<10240000xf32, #tpu.memory_space<hbm>> -> memref<20000xf32, #tpu.memory_space<hbm>>
    tpu.enqueue_dma source(%dma_start3A_288 : memref<20000xf32, #tpu.memory_space<hbm>>) target(%arg5 : memref<20000xf32, #tpu.memory_space<vmem>>) target_semaphore(%arg9 : memref<!tpu.dma_semaphore, #tpu.memory_space<semaphore_mem>>)
    %dma_wait3A_289 = tpu.memref_slice %arg2[%add3A_174] : memref<10240000xf32, #tpu.memory_space<hbm>> -> memref<20000xf32, #tpu.memory_space<hbm>>
    %dma_wait3A_290 = tpu.memref_slice %arg2[%add3A_174] : memref<10240000xf32, #tpu.memory_space<hbm>> -> memref<20000xf32, #tpu.memory_space<hbm>>
    tpu.wait_dma2 semaphore(%arg10 : memref<!tpu.dma_semaphore, #tpu.memory_space<semaphore_mem>>) src(%dma_wait3A_290 : memref<20000xf32, #tpu.memory_space<hbm>>) dst(%arg6 : memref<20000xf32, #tpu.memory_space<vmem>>)
    %dma_start3A_291 = tpu.memref_slice %arg3[%add3A_178] : memref<10240000xf32, #tpu.memory_space<hbm>> -> memref<20000xf32, #tpu.memory_space<hbm>>
    %dma_start3A_292 = tpu.memref_slice %arg3[%add3A_178] : memref<10240000xf32, #tpu.memory_space<hbm>> -> memref<20000xf32, #tpu.memory_space<hbm>>
    tpu.enqueue_dma source(%arg6 : memref<20000xf32, #tpu.memory_space<vmem>>) target(%dma_start3A_292 : memref<20000xf32, #tpu.memory_space<hbm>>) target_semaphore(%arg14 : memref<!tpu.dma_semaphore, #tpu.memory_space<semaphore_mem>>)
    %dma_wait3A_293 = tpu.memref_slice %arg3[%add3A_178] : memref<10240000xf32, #tpu.memory_space<hbm>> -> memref<20000xf32, #tpu.memory_space<hbm>>
    %dma_wait3A_294 = tpu.memref_slice %arg3[%add3A_178] : memref<10240000xf32, #tpu.memory_space<hbm>> -> memref<20000xf32, #tpu.memory_space<hbm>>
    tpu.wait_dma2 semaphore(%arg14 : memref<!tpu.dma_semaphore, #tpu.memory_space<semaphore_mem>>) src(%arg6 : memref<20000xf32, #tpu.memory_space<vmem>>) dst(%dma_wait3A_294 : memref<20000xf32, #tpu.memory_space<hbm>>)
    %dma_start3A_295 = tpu.memref_slice %arg2[%add3A_204] : memref<10240000xf32, #tpu.memory_space<hbm>> -> memref<20000xf32, #tpu.memory_space<hbm>>
    %dma_start3A_296 = tpu.memref_slice %arg2[%add3A_204] : memref<10240000xf32, #tpu.memory_space<hbm>> -> memref<20000xf32, #tpu.memory_space<hbm>>
    tpu.enqueue_dma source(%dma_start3A_296 : memref<20000xf32, #tpu.memory_space<hbm>>) target(%arg6 : memref<20000xf32, #tpu.memory_space<vmem>>) target_semaphore(%arg10 : memref<!tpu.dma_semaphore, #tpu.memory_space<semaphore_mem>>)
    %dma_wait3A_297 = tpu.memref_slice %arg2[%add3A_182] : memref<10240000xf32, #tpu.memory_space<hbm>> -> memref<20000xf32, #tpu.memory_space<hbm>>
    %dma_wait3A_298 = tpu.memref_slice %arg2[%add3A_182] : memref<10240000xf32, #tpu.memory_space<hbm>> -> memref<20000xf32, #tpu.memory_space<hbm>>
    tpu.wait_dma2 semaphore(%arg11 : memref<!tpu.dma_semaphore, #tpu.memory_space<semaphore_mem>>) src(%dma_wait3A_298 : memref<20000xf32, #tpu.memory_space<hbm>>) dst(%arg7 : memref<20000xf32, #tpu.memory_space<vmem>>)
    %dma_start3A_299 = tpu.memref_slice %arg3[%add3A_186] : memref<10240000xf32, #tpu.memory_space<hbm>> -> memref<20000xf32, #tpu.memory_space<hbm>>
    %dma_start3A_300 = tpu.memref_slice %arg3[%add3A_186] : memref<10240000xf32, #tpu.memory_space<hbm>> -> memref<20000xf32, #tpu.memory_space<hbm>>
    tpu.enqueue_dma source(%arg7 : memref<20000xf32, #tpu.memory_space<vmem>>) target(%dma_start3A_300 : memref<20000xf32, #tpu.memory_space<hbm>>) target_semaphore(%arg15 : memref<!tpu.dma_semaphore, #tpu.memory_space<semaphore_mem>>)
    %dma_wait3A_301 = tpu.memref_slice %arg3[%add3A_186] : memref<10240000xf32, #tpu.memory_space<hbm>> -> memref<20000xf32, #tpu.memory_space<hbm>>
    %dma_wait3A_302 = tpu.memref_slice %arg3[%add3A_186] : memref<10240000xf32, #tpu.memory_space<hbm>> -> memref<20000xf32, #tpu.memory_space<hbm>>
    tpu.wait_dma2 semaphore(%arg15 : memref<!tpu.dma_semaphore, #tpu.memory_space<semaphore_mem>>) src(%arg7 : memref<20000xf32, #tpu.memory_space<vmem>>) dst(%dma_wait3A_302 : memref<20000xf32, #tpu.memory_space<hbm>>)
    %dma_start3A_303 = tpu.memref_slice %arg2[%add3A_210] : memref<10240000xf32, #tpu.memory_space<hbm>> -> memref<20000xf32, #tpu.memory_space<hbm>>
    %dma_start3A_304 = tpu.memref_slice %arg2[%add3A_210] : memref<10240000xf32, #tpu.memory_space<hbm>> -> memref<20000xf32, #tpu.memory_space<hbm>>
    tpu.enqueue_dma source(%dma_start3A_304 : memref<20000xf32, #tpu.memory_space<hbm>>) target(%arg7 : memref<20000xf32, #tpu.memory_space<vmem>>) target_semaphore(%arg11 : memref<!tpu.dma_semaphore, #tpu.memory_space<semaphore_mem>>)
    %dma_wait3A_305 = tpu.memref_slice %arg2[%add3A_192] : memref<10240000xf32, #tpu.memory_space<hbm>> -> memref<20000xf32, #tpu.memory_space<hbm>>
    %dma_wait3A_306 = tpu.memref_slice %arg2[%add3A_192] : memref<10240000xf32, #tpu.memory_space<hbm>> -> memref<20000xf32, #tpu.memory_space<hbm>>
    tpu.wait_dma2 semaphore(%arg8 : memref<!tpu.dma_semaphore, #tpu.memory_space<semaphore_mem>>) src(%dma_wait3A_306 : memref<20000xf32, #tpu.memory_space<hbm>>) dst(%arg4 : memref<20000xf32, #tpu.memory_space<vmem>>)
    %dma_start3A_307 = tpu.memref_slice %arg3[%add3A_192] : memref<10240000xf32, #tpu.memory_space<hbm>> -> memref<20000xf32, #tpu.memory_space<hbm>>
    %dma_start3A_308 = tpu.memref_slice %arg3[%add3A_192] : memref<10240000xf32, #tpu.memory_space<hbm>> -> memref<20000xf32, #tpu.memory_space<hbm>>
    tpu.enqueue_dma source(%arg4 : memref<20000xf32, #tpu.memory_space<vmem>>) target(%dma_start3A_308 : memref<20000xf32, #tpu.memory_space<hbm>>) target_semaphore(%arg12 : memref<!tpu.dma_semaphore, #tpu.memory_space<semaphore_mem>>)
    %dma_wait3A_309 = tpu.memref_slice %arg3[%add3A_192] : memref<10240000xf32, #tpu.memory_space<hbm>> -> memref<20000xf32, #tpu.memory_space<hbm>>
    %dma_wait3A_310 = tpu.memref_slice %arg3[%add3A_192] : memref<10240000xf32, #tpu.memory_space<hbm>> -> memref<20000xf32, #tpu.memory_space<hbm>>
    tpu.wait_dma2 semaphore(%arg12 : memref<!tpu.dma_semaphore, #tpu.memory_space<semaphore_mem>>) src(%arg4 : memref<20000xf32, #tpu.memory_space<vmem>>) dst(%dma_wait3A_310 : memref<20000xf32, #tpu.memory_space<hbm>>)
    %dma_start3A_311 = tpu.memref_slice %arg2[%add3A_216] : memref<10240000xf32, #tpu.memory_space<hbm>> -> memref<20000xf32, #tpu.memory_space<hbm>>
    %dma_start3A_312 = tpu.memref_slice %arg2[%add3A_216] : memref<10240000xf32, #tpu.memory_space<hbm>> -> memref<20000xf32, #tpu.memory_space<hbm>>
    tpu.enqueue_dma source(%dma_start3A_312 : memref<20000xf32, #tpu.memory_space<hbm>>) target(%arg4 : memref<20000xf32, #tpu.memory_space<vmem>>) target_semaphore(%arg8 : memref<!tpu.dma_semaphore, #tpu.memory_space<semaphore_mem>>)
    %dma_wait3A_313 = tpu.memref_slice %arg2[%add3A_198] : memref<10240000xf32, #tpu.memory_space<hbm>> -> memref<20000xf32, #tpu.memory_space<hbm>>
    %dma_wait3A_314 = tpu.memref_slice %arg2[%add3A_198] : memref<10240000xf32, #tpu.memory_space<hbm>> -> memref<20000xf32, #tpu.memory_space<hbm>>
    tpu.wait_dma2 semaphore(%arg9 : memref<!tpu.dma_semaphore, #tpu.memory_space<semaphore_mem>>) src(%dma_wait3A_314 : memref<20000xf32, #tpu.memory_space<hbm>>) dst(%arg5 : memref<20000xf32, #tpu.memory_space<vmem>>)
    %dma_start3A_315 = tpu.memref_slice %arg3[%add3A_198] : memref<10240000xf32, #tpu.memory_space<hbm>> -> memref<20000xf32, #tpu.memory_space<hbm>>
    %dma_start3A_316 = tpu.memref_slice %arg3[%add3A_198] : memref<10240000xf32, #tpu.memory_space<hbm>> -> memref<20000xf32, #tpu.memory_space<hbm>>
    tpu.enqueue_dma source(%arg5 : memref<20000xf32, #tpu.memory_space<vmem>>) target(%dma_start3A_316 : memref<20000xf32, #tpu.memory_space<hbm>>) target_semaphore(%arg13 : memref<!tpu.dma_semaphore, #tpu.memory_space<semaphore_mem>>)
    %dma_wait3A_317 = tpu.memref_slice %arg3[%add3A_198] : memref<10240000xf32, #tpu.memory_space<hbm>> -> memref<20000xf32, #tpu.memory_space<hbm>>
    %dma_wait3A_318 = tpu.memref_slice %arg3[%add3A_198] : memref<10240000xf32, #tpu.memory_space<hbm>> -> memref<20000xf32, #tpu.memory_space<hbm>>
    tpu.wait_dma2 semaphore(%arg13 : memref<!tpu.dma_semaphore, #tpu.memory_space<semaphore_mem>>) src(%arg5 : memref<20000xf32, #tpu.memory_space<vmem>>) dst(%dma_wait3A_318 : memref<20000xf32, #tpu.memory_space<hbm>>)
    %dma_start3A_319 = tpu.memref_slice %arg2[%add3A_222] : memref<10240000xf32, #tpu.memory_space<hbm>> -> memref<20000xf32, #tpu.memory_space<hbm>>
    %dma_start3A_320 = tpu.memref_slice %arg2[%add3A_222] : memref<10240000xf32, #tpu.memory_space<hbm>> -> memref<20000xf32, #tpu.memory_space<hbm>>
    tpu.enqueue_dma source(%dma_start3A_320 : memref<20000xf32, #tpu.memory_space<hbm>>) target(%arg5 : memref<20000xf32, #tpu.memory_space<vmem>>) target_semaphore(%arg9 : memref<!tpu.dma_semaphore, #tpu.memory_space<semaphore_mem>>)
    %dma_wait3A_321 = tpu.memref_slice %arg2[%add3A_204] : memref<10240000xf32, #tpu.memory_space<hbm>> -> memref<20000xf32, #tpu.memory_space<hbm>>
    %dma_wait3A_322 = tpu.memref_slice %arg2[%add3A_204] : memref<10240000xf32, #tpu.memory_space<hbm>> -> memref<20000xf32, #tpu.memory_space<hbm>>
    tpu.wait_dma2 semaphore(%arg10 : memref<!tpu.dma_semaphore, #tpu.memory_space<semaphore_mem>>) src(%dma_wait3A_322 : memref<20000xf32, #tpu.memory_space<hbm>>) dst(%arg6 : memref<20000xf32, #tpu.memory_space<vmem>>)
    %dma_start3A_323 = tpu.memref_slice %arg3[%add3A_204] : memref<10240000xf32, #tpu.memory_space<hbm>> -> memref<20000xf32, #tpu.memory_space<hbm>>
    %dma_start3A_324 = tpu.memref_slice %arg3[%add3A_204] : memref<10240000xf32, #tpu.memory_space<hbm>> -> memref<20000xf32, #tpu.memory_space<hbm>>
    tpu.enqueue_dma source(%arg6 : memref<20000xf32, #tpu.memory_space<vmem>>) target(%dma_start3A_324 : memref<20000xf32, #tpu.memory_space<hbm>>) target_semaphore(%arg14 : memref<!tpu.dma_semaphore, #tpu.memory_space<semaphore_mem>>)
    %dma_wait3A_325 = tpu.memref_slice %arg3[%add3A_204] : memref<10240000xf32, #tpu.memory_space<hbm>> -> memref<20000xf32, #tpu.memory_space<hbm>>
    %dma_wait3A_326 = tpu.memref_slice %arg3[%add3A_204] : memref<10240000xf32, #tpu.memory_space<hbm>> -> memref<20000xf32, #tpu.memory_space<hbm>>
    tpu.wait_dma2 semaphore(%arg14 : memref<!tpu.dma_semaphore, #tpu.memory_space<semaphore_mem>>) src(%arg6 : memref<20000xf32, #tpu.memory_space<vmem>>) dst(%dma_wait3A_326 : memref<20000xf32, #tpu.memory_space<hbm>>)
    %dma_start3A_327 = tpu.memref_slice %arg2[%add3A_228] : memref<10240000xf32, #tpu.memory_space<hbm>> -> memref<20000xf32, #tpu.memory_space<hbm>>
    %dma_start3A_328 = tpu.memref_slice %arg2[%add3A_228] : memref<10240000xf32, #tpu.memory_space<hbm>> -> memref<20000xf32, #tpu.memory_space<hbm>>
    tpu.enqueue_dma source(%dma_start3A_328 : memref<20000xf32, #tpu.memory_space<hbm>>) target(%arg6 : memref<20000xf32, #tpu.memory_space<vmem>>) target_semaphore(%arg10 : memref<!tpu.dma_semaphore, #tpu.memory_space<semaphore_mem>>)
    %dma_wait3A_329 = tpu.memref_slice %arg2[%add3A_210] : memref<10240000xf32, #tpu.memory_space<hbm>> -> memref<20000xf32, #tpu.memory_space<hbm>>
    %dma_wait3A_330 = tpu.memref_slice %arg2[%add3A_210] : memref<10240000xf32, #tpu.memory_space<hbm>> -> memref<20000xf32, #tpu.memory_space<hbm>>
    tpu.wait_dma2 semaphore(%arg11 : memref<!tpu.dma_semaphore, #tpu.memory_space<semaphore_mem>>) src(%dma_wait3A_330 : memref<20000xf32, #tpu.memory_space<hbm>>) dst(%arg7 : memref<20000xf32, #tpu.memory_space<vmem>>)
    %dma_start3A_331 = tpu.memref_slice %arg3[%add3A_210] : memref<10240000xf32, #tpu.memory_space<hbm>> -> memref<20000xf32, #tpu.memory_space<hbm>>
    %dma_start3A_332 = tpu.memref_slice %arg3[%add3A_210] : memref<10240000xf32, #tpu.memory_space<hbm>> -> memref<20000xf32, #tpu.memory_space<hbm>>
    tpu.enqueue_dma source(%arg7 : memref<20000xf32, #tpu.memory_space<vmem>>) target(%dma_start3A_332 : memref<20000xf32, #tpu.memory_space<hbm>>) target_semaphore(%arg15 : memref<!tpu.dma_semaphore, #tpu.memory_space<semaphore_mem>>)
    %dma_wait3A_333 = tpu.memref_slice %arg3[%add3A_210] : memref<10240000xf32, #tpu.memory_space<hbm>> -> memref<20000xf32, #tpu.memory_space<hbm>>
    %dma_wait3A_334 = tpu.memref_slice %arg3[%add3A_210] : memref<10240000xf32, #tpu.memory_space<hbm>> -> memref<20000xf32, #tpu.memory_space<hbm>>
    tpu.wait_dma2 semaphore(%arg15 : memref<!tpu.dma_semaphore, #tpu.memory_space<semaphore_mem>>) src(%arg7 : memref<20000xf32, #tpu.memory_space<vmem>>) dst(%dma_wait3A_334 : memref<20000xf32, #tpu.memory_space<hbm>>)
    %dma_start3A_335 = tpu.memref_slice %arg2[%add3A_234] : memref<10240000xf32, #tpu.memory_space<hbm>> -> memref<20000xf32, #tpu.memory_space<hbm>>
    %dma_start3A_336 = tpu.memref_slice %arg2[%add3A_234] : memref<10240000xf32, #tpu.memory_space<hbm>> -> memref<20000xf32, #tpu.memory_space<hbm>>
    tpu.enqueue_dma source(%dma_start3A_336 : memref<20000xf32, #tpu.memory_space<hbm>>) target(%arg7 : memref<20000xf32, #tpu.memory_space<vmem>>) target_semaphore(%arg11 : memref<!tpu.dma_semaphore, #tpu.memory_space<semaphore_mem>>)
    %dma_wait3A_337 = tpu.memref_slice %arg2[%add3A_216] : memref<10240000xf32, #tpu.memory_space<hbm>> -> memref<20000xf32, #tpu.memory_space<hbm>>
    %dma_wait3A_338 = tpu.memref_slice %arg2[%add3A_216] : memref<10240000xf32, #tpu.memory_space<hbm>> -> memref<20000xf32, #tpu.memory_space<hbm>>
    tpu.wait_dma2 semaphore(%arg8 : memref<!tpu.dma_semaphore, #tpu.memory_space<semaphore_mem>>) src(%dma_wait3A_338 : memref<20000xf32, #tpu.memory_space<hbm>>) dst(%arg4 : memref<20000xf32, #tpu.memory_space<vmem>>)
    %dma_start3A_339 = tpu.memref_slice %arg3[%add3A_216] : memref<10240000xf32, #tpu.memory_space<hbm>> -> memref<20000xf32, #tpu.memory_space<hbm>>
    %dma_start3A_340 = tpu.memref_slice %arg3[%add3A_216] : memref<10240000xf32, #tpu.memory_space<hbm>> -> memref<20000xf32, #tpu.memory_space<hbm>>
    tpu.enqueue_dma source(%arg4 : memref<20000xf32, #tpu.memory_space<vmem>>) target(%dma_start3A_340 : memref<20000xf32, #tpu.memory_space<hbm>>) target_semaphore(%arg12 : memref<!tpu.dma_semaphore, #tpu.memory_space<semaphore_mem>>)
    %dma_wait3A_341 = tpu.memref_slice %arg2[%add3A_222] : memref<10240000xf32, #tpu.memory_space<hbm>> -> memref<20000xf32, #tpu.memory_space<hbm>>
    %dma_wait3A_342 = tpu.memref_slice %arg2[%add3A_222] : memref<10240000xf32, #tpu.memory_space<hbm>> -> memref<20000xf32, #tpu.memory_space<hbm>>
    tpu.wait_dma2 semaphore(%arg9 : memref<!tpu.dma_semaphore, #tpu.memory_space<semaphore_mem>>) src(%dma_wait3A_342 : memref<20000xf32, #tpu.memory_space<hbm>>) dst(%arg5 : memref<20000xf32, #tpu.memory_space<vmem>>)
    %dma_start3A_343 = tpu.memref_slice %arg3[%add3A_222] : memref<10240000xf32, #tpu.memory_space<hbm>> -> memref<20000xf32, #tpu.memory_space<hbm>>
    %dma_start3A_344 = tpu.memref_slice %arg3[%add3A_222] : memref<10240000xf32, #tpu.memory_space<hbm>> -> memref<20000xf32, #tpu.memory_space<hbm>>
    tpu.enqueue_dma source(%arg5 : memref<20000xf32, #tpu.memory_space<vmem>>) target(%dma_start3A_344 : memref<20000xf32, #tpu.memory_space<hbm>>) target_semaphore(%arg13 : memref<!tpu.dma_semaphore, #tpu.memory_space<semaphore_mem>>)
    %dma_wait3A_345 = tpu.memref_slice %arg2[%add3A_228] : memref<10240000xf32, #tpu.memory_space<hbm>> -> memref<20000xf32, #tpu.memory_space<hbm>>
    %dma_wait3A_346 = tpu.memref_slice %arg2[%add3A_228] : memref<10240000xf32, #tpu.memory_space<hbm>> -> memref<20000xf32, #tpu.memory_space<hbm>>
    tpu.wait_dma2 semaphore(%arg10 : memref<!tpu.dma_semaphore, #tpu.memory_space<semaphore_mem>>) src(%dma_wait3A_346 : memref<20000xf32, #tpu.memory_space<hbm>>) dst(%arg6 : memref<20000xf32, #tpu.memory_space<vmem>>)
    %dma_start3A_347 = tpu.memref_slice %arg3[%add3A_228] : memref<10240000xf32, #tpu.memory_space<hbm>> -> memref<20000xf32, #tpu.memory_space<hbm>>
    %dma_start3A_348 = tpu.memref_slice %arg3[%add3A_228] : memref<10240000xf32, #tpu.memory_space<hbm>> -> memref<20000xf32, #tpu.memory_space<hbm>>
    tpu.enqueue_dma source(%arg6 : memref<20000xf32, #tpu.memory_space<vmem>>) target(%dma_start3A_348 : memref<20000xf32, #tpu.memory_space<hbm>>) target_semaphore(%arg14 : memref<!tpu.dma_semaphore, #tpu.memory_space<semaphore_mem>>)
    %dma_wait3A_349 = tpu.memref_slice %arg2[%add3A_234] : memref<10240000xf32, #tpu.memory_space<hbm>> -> memref<20000xf32, #tpu.memory_space<hbm>>
    %dma_wait3A_350 = tpu.memref_slice %arg2[%add3A_234] : memref<10240000xf32, #tpu.memory_space<hbm>> -> memref<20000xf32, #tpu.memory_space<hbm>>
    tpu.wait_dma2 semaphore(%arg11 : memref<!tpu.dma_semaphore, #tpu.memory_space<semaphore_mem>>) src(%dma_wait3A_350 : memref<20000xf32, #tpu.memory_space<hbm>>) dst(%arg7 : memref<20000xf32, #tpu.memory_space<vmem>>)
    %dma_start3A_351 = tpu.memref_slice %arg3[%add3A_234] : memref<10240000xf32, #tpu.memory_space<hbm>> -> memref<20000xf32, #tpu.memory_space<hbm>>
    %dma_start3A_352 = tpu.memref_slice %arg3[%add3A_234] : memref<10240000xf32, #tpu.memory_space<hbm>> -> memref<20000xf32, #tpu.memory_space<hbm>>
    tpu.enqueue_dma source(%arg7 : memref<20000xf32, #tpu.memory_space<vmem>>) target(%dma_start3A_352 : memref<20000xf32, #tpu.memory_space<hbm>>) target_semaphore(%arg15 : memref<!tpu.dma_semaphore, #tpu.memory_space<semaphore_mem>>)
    %dma_wait3A_353 = tpu.memref_slice %arg3[%add3A_216] : memref<10240000xf32, #tpu.memory_space<hbm>> -> memref<20000xf32, #tpu.memory_space<hbm>>
    %dma_wait3A_354 = tpu.memref_slice %arg3[%add3A_216] : memref<10240000xf32, #tpu.memory_space<hbm>> -> memref<20000xf32, #tpu.memory_space<hbm>>
    tpu.wait_dma2 semaphore(%arg12 : memref<!tpu.dma_semaphore, #tpu.memory_space<semaphore_mem>>) src(%arg4 : memref<20000xf32, #tpu.memory_space<vmem>>) dst(%dma_wait3A_354 : memref<20000xf32, #tpu.memory_space<hbm>>)
    %dma_wait3A_355 = tpu.memref_slice %arg3[%add3A_222] : memref<10240000xf32, #tpu.memory_space<hbm>> -> memref<20000xf32, #tpu.memory_space<hbm>>
    %dma_wait3A_356 = tpu.memref_slice %arg3[%add3A_222] : memref<10240000xf32, #tpu.memory_space<hbm>> -> memref<20000xf32, #tpu.memory_space<hbm>>
    tpu.wait_dma2 semaphore(%arg13 : memref<!tpu.dma_semaphore, #tpu.memory_space<semaphore_mem>>) src(%arg5 : memref<20000xf32, #tpu.memory_space<vmem>>) dst(%dma_wait3A_356 : memref<20000xf32, #tpu.memory_space<hbm>>)
    %dma_wait3A_357 = tpu.memref_slice %arg3[%add3A_228] : memref<10240000xf32, #tpu.memory_space<hbm>> -> memref<20000xf32, #tpu.memory_space<hbm>>
    %dma_wait3A_358 = tpu.memref_slice %arg3[%add3A_228] : memref<10240000xf32, #tpu.memory_space<hbm>> -> memref<20000xf32, #tpu.memory_space<hbm>>
    tpu.wait_dma2 semaphore(%arg14 : memref<!tpu.dma_semaphore, #tpu.memory_space<semaphore_mem>>) src(%arg6 : memref<20000xf32, #tpu.memory_space<vmem>>) dst(%dma_wait3A_358 : memref<20000xf32, #tpu.memory_space<hbm>>)
    %dma_wait3A_359 = tpu.memref_slice %arg3[%add3A_234] : memref<10240000xf32, #tpu.memory_space<hbm>> -> memref<20000xf32, #tpu.memory_space<hbm>>
    %dma_wait3A_360 = tpu.memref_slice %arg3[%add3A_234] : memref<10240000xf32, #tpu.memory_space<hbm>> -> memref<20000xf32, #tpu.memory_space<hbm>>
    tpu.wait_dma2 semaphore(%arg15 : memref<!tpu.dma_semaphore, #tpu.memory_space<semaphore_mem>>) src(%arg7 : memref<20000xf32, #tpu.memory_space<vmem>>) dst(%dma_wait3A_360 : memref<20000xf32, #tpu.memory_space<hbm>>)
    return
  }
}

</mosaic_0001>

<sc_bundles>
// kernel: kernel.3.cloned.1.call-start
scs
__scs_entry_jumppad:
0x0: {  	(pc) =	sbr.rel $0x88, $3  }
0x1: {  	(tag) =	ssettag $0x0;
	lr =	simm.s32 $0x1  }
0x2: {  	[smem:$0x3FA0] =	sst lr;
	_ =	strace $0xD0000000  }
0x3: {  	_ = 	snop  }
0x4: {  	_ = 	snop  }
0x5: {  	_ = 	snop  }
0x6: {  	_ = 	snop  }
0x7: {  	_ = 	snop  }
__scs_overlays_trampoline_lowered:
0x8: {  	[smem:$0x3FAF] =	sst s0  }
0x9: {  	[smem:$0x3FB0] =	sst s1  }
0xa: {  	[smem:$0x3FB1] =	sst s2  }
0xb: {  	[smem:$0x3FB2] =	sst s3  }
0xc: {  	[smem:$0x3FB3] =	sst s4  }
0xd: {  	[smem:$0x3FB4] =	sst s5  }
0xe: {  	[smem:$0x3FB5] =	sst s6  }
0xf: {  	[smem:$0x3FB6] =	sst s7  }
0x10: {  	[smem:$0x3FB7] =	sst s8  }
0x11: {  	[smem:$0x3FB8] =	sst s9;
	s0 =	simm.s32 @!p0 $0x0  }
0x12: {  	s1 =	sld [smem:$0x3F9E];
	s0 =	simm.s32 @p0 $0x1  }
0x13: {  	[smem:$0x3FB9] =	sst s0;
	s0 =	simm.s32 @!p1 $0x0  }
0x14: {  	s2 =	sld [smem:$0x3F9D];
	s0 =	simm.s32 @p1 $0x1  }
0x15: {  	[smem:$0x3FBA] =	sst s0;
	s0 =	simm.s32 @!p2 $0x0  }
0x16: {  	s3 =	sld [smem:$0x3FDB];
	s0 =	simm.s32 @p2 $0x1  }
0x17: {  	s4 =	simm.s32 $0x1BF5;
	[smem:$0x3FBC] =	sst s0  }
0x18: {  	s0 =	sld [smem:$0x3F9F];
	_ =	swait.ge [sflag:s4], $0x0  }
0x19: {  	s7 =	sld [smem:$0x3FA0]  }
0x1a: {  	s8 =	sadd.s32 $0xFFFFE003, lr  }
0x1b: {  	s9 =	sadd.s32 $0xFFFFFEF7, lr;
	s5 =	simm.s32 $0xFFFFFFFF;
	p2 =	slt.u32 s8, $0xFFFFF086  }
0x1c: {  	p1 =	slt.u32 s9, $0xF7A;
	s5 =	simm.s32 @!p2 $0x0  }
0x1d: {  	s5 =	simm.s32 @p1 $0x1;
	p0 =	seq.s32 s7, s2  }
0x1e: {  	s7 =	smul.u32 @!p0 $0xF7A, s2;
	p2 =	seq.s32 @!p0 s5, $0x0  }
0x1f: {  	s9 =	smul.u32 $0xF7A, s1;
	s8 =	simm.s32 @!p0 $0x1BF5;
	p2 =	por !p2, p0  }
0x20: {  	[sflag:s8] =	ssyncset.s32 @!p0 $0xFFFFF086;
	s6 =	sadd.s32 @!p0 s3, s7;
	s7 =	simm.s32 @!p0 $0x108  }
0x21: {  	s3 =	sadd.s32 s3, s9;
	s6 =	sadd.s32 @!p0 $0x88, s6;
	s7 =	simm.s32 @p2 $0x1082  }
0x22: {  	[simem:s7], [sflag:s8] =	dma.local @!p0 [hbm:s6], $0xF7A  }
0x23: {  	s9 =	sor.u32 $0xD0000000, s2;
	s6 =	simm.s32 $0x108;
	_ =	swait.ge @!p0 [sflag:s8], $0x0  }
0x24: {  	s3 =	sadd.s32 $0x88, s3;
	s6 =	simm.s32 @!p1 $0x1082;
	[sflag:s4] =	ssyncset.s32 $0xFFFFF086  }
0x25: {  	[simem:s6], [sflag:s4] =	dma.local [hbm:s3], $0xF7A  }
0x26: {  	[smem:$0x3FA0] =	sst s1;
	(tag) =	ssettag s2;
	_ =	strace s9  }
0x27: {  	s1 =	sld [smem:$0x3FB0]  }
0x28: {  	s2 =	sld [smem:$0x3FB1]  }
0x29: {  	s4 =	sld [smem:$0x3FB3]  }
0x2a: {  	p0 =	seq.s32 s5, $0x0;
	s5 =	sld [smem:$0x3FB4]  }
0x2b: {  	s6 =	sld [smem:$0x3FB5]  }
0x2c: {  	s7 =	sld [smem:$0x3FB6]  }
0x2d: {  	s3 =	simm.s32 $0x108;
	s8 =	sld [smem:$0x3FB7]  }
0x2e: {  	s3 =	simm.s32 @!p0 $0x1082;
	s9 =	sld [smem:$0x3FB8]  }
0x2f: {  	lr =	sadd.s32 s0, s3;
	s0 =	sld [smem:$0x3FAF]  }
0x30: {  	s3 =	sld [smem:$0x3FB2]  }
0x31: {  	[smem:$0x3FBB] =	sst s10  }
0x32: {  	s10 =	sld [smem:$0x3FB9];
	_ =	sdelay $0x3  }
0x33: {  	p0 =	seq.s32 s10, $0x1;
	s10 =	sld [smem:$0x3FBB];
	_ =	sdelay $0x3  }
0x34: {  	[smem:$0x3FBB] =	sst s10  }
0x35: {  	s10 =	sld [smem:$0x3FBA];
	_ =	sdelay $0x3  }
0x36: {  	p1 =	seq.s32 s10, $0x1;
	s10 =	sld [smem:$0x3FBB];
	_ =	sdelay $0x3  }
0x37: {  	[smem:$0x3FBB] =	sst s10  }
0x38: {  	s10 =	sld [smem:$0x3FBC]  }
0x39: {  	_ = 	snop;
	(pc) =	sbr.ind lr, $3  }
0x3a: {  	_ = 	snop  }
0x3b: {  	_ = 	snop  }
0x3c: {  	p2 =	seq.s32 s10, $0x1;
	s10 =	sld [smem:$0x3FBB]  }
0x3d: {  	_ =	shalt  }
0x3e: {  	_ =	shalt  }
0x3f: {  	_ =	shalt  }
0x40: {  	_ =	shalt  }
0x41: {  	_ =	shalt  }
0x42: {  	_ =	shalt  }
0x43: {  	_ =	shalt  }
0x44: {  	_ =	shalt  }
0x45: {  	_ =	shalt  }
0x46: {  	_ =	shalt  }
0x47: {  	_ =	shalt  }
0x48: {  	_ =	shalt  }
0x49: {  	_ =	shalt  }
0x4a: {  	_ =	shalt  }
0x4b: {  	_ =	shalt  }
0x4c: {  	_ =	shalt  }
0x4d: {  	_ =	shalt  }
0x4e: {  	_ =	shalt  }
0x4f: {  	_ =	shalt  }
0x50: {  	_ =	shalt  }
0x51: {  	_ =	shalt  }
0x52: {  	_ =	shalt  }
0x53: {  	_ =	shalt  }
0x54: {  	_ =	shalt  }
0x55: {  	_ =	shalt  }
0x56: {  	_ =	shalt  }
0x57: {  	_ =	shalt  }
0x58: {  	_ =	shalt  }
0x59: {  	_ =	shalt  }
0x5a: {  	_ =	shalt  }
0x5b: {  	_ =	shalt  }
0x5c: {  	_ =	shalt  }
0x5d: {  	_ =	shalt  }
0x5e: {  	_ =	shalt  }
0x5f: {  	_ =	shalt  }
0x60: {  	_ =	shalt  }
0x61: {  	_ =	shalt  }
0x62: {  	_ =	shalt  }
0x63: {  	_ =	shalt  }
0x64: {  	_ =	shalt  }
0x65: {  	_ =	shalt  }
0x66: {  	_ =	shalt  }
0x67: {  	_ =	shalt  }
0x68: {  	_ =	shalt  }
0x69: {  	_ =	shalt  }
0x6a: {  	_ =	shalt  }
0x6b: {  	_ =	shalt  }
0x6c: {  	_ =	shalt  }
0x6d: {  	_ =	shalt  }
0x6e: {  	_ =	shalt  }
0x6f: {  	_ =	shalt  }
0x70: {  	_ =	shalt  }
0x71: {  	_ =	shalt  }
0x72: {  	_ =	shalt  }
0x73: {  	_ =	shalt  }
0x74: {  	_ =	shalt  }
0x75: {  	_ =	shalt  }
0x76: {  	_ =	shalt  }
0x77: {  	_ =	shalt  }
0x78: {  	_ =	shalt  }
0x79: {  	_ =	shalt  }
0x7a: {  	_ =	shalt  }
0x7b: {  	_ =	shalt  }
0x7c: {  	_ =	shalt  }
0x7d: {  	_ =	shalt  }
0x7e: {  	_ =	shalt  }
0x7f: {  	_ =	shalt  }
0x80: {  	_ =	shalt  }
0x81: {  	_ =	shalt  }
0x82: {  	_ =	shalt  }
0x83: {  	_ =	shalt  }
0x84: {  	_ =	shalt  }
0x85: {  	_ =	shalt  }
0x86: {  	_ =	shalt  }
0x87: {  	_ =	shalt  }
.Lfunc_end0:
.L_simem_size_0:
called_computation_lowered:
.L_overlay_start_0:
0x88: {  	s2 =	sld [smem:$0x3FD9]  }
0x89: {  	s3 =	sld [smem:$0x3FFE];
	_ =	sdelay $0x1  }
0x8a: {  	s1 =	srdreg.scid  }
0x8b: {  	s0 =	sand.u32 $0x1, s1  }
0x8c: {  	s18 =	sshll.u32 s0, $0xA;
	s2 =	sadd.s32 s3, s2  }
0x8d: {  	s2 =	sadd.s32 s2, s18  }
0x8e: {  	[smem:$0x3FC7] =	sst s2  }
0x8f: {  	_ = 	snop  }
0x90: {  	s2 =	sld [smem:$0x3FC9]  }
0x91: {  	s19 =	sld [smem:$0x3FD0];
	(tm) =	ssettm $0x1  }
0x92: {  	s4 =	sld [smem:$0x3FFB];
	_ =	sdelay $0x3  }
0x93: {  	_ =	strace s4  }
0x94: {  	s4 =	sld [smem:$0x3FFC];
	_ =	sdelay $0x3  }
0x95: {  	_ =	strace s4  }
0x96: {  	s4 =	sld [smem:$0x3FFD];
	_ =	sdelay $0x3  }
0x97: {  	_ =	strace s4  }
0x98: {  	_ =	strace $0x8FFFFFFF  }
0x99: {  	s20 =	sld [smem:$0x3FDB];
	_ =	sdelay $0x1  }
0x9a: {  	s5 =	simm.s32 $_scs_section_size  }
0x9b: {  	s6 =	simm.s32 $_size__tile_overlayer_lowered;
	s7 =	simm.s32 $_tile_overlayer_lowered  }
0x9c: {  	s23 =	simm.s32 $0x1BFF;
	s22 =	sshll.u32 s7, $0x1;
	s4 =	sadd.s32 s5, s20  }
0x9d: {  	s8 =	simm.s32 $0x0;
	s21 =	sshll.u32 s6, $0x1;
	s6 =	sadd.s32 s22, s4  }
0x9e: {  	[timem:s8], [sflag:s23] =	dma.local [hbm:s6], s21  }
0x9f: {  	_ =	swait.ge [sflag:s23], s21  }
0xa0: {  	s5 =	ssub.s32 $0x0, s21;
	[sflag:s23] =	ssyncset.done $0x0  }
0xa1: {  	[sflag:s23] =	ssyncadd.s32 s5;
	_ =	sdelay $0x1  }
0xa2: {  	s24 =	simm.s32 $0x1B8B  }
0xa3: {  	_ =	swait.ge [sflag:s24], $0x1  }
0xa4: {  	[sflag:s24] =	ssyncset.done $0x0  }
0xa5: {  	s25 =	simm.s32 $0x1B8E;
	[sflag:s24] =	ssyncadd.s32 $0xFFFFFFFF  }
0xa6: {  	s26 =	simm.s32 $execute0_lowered;
	[smem:$0x3FD2] =	sst s25  }
0xa7: {  	s5 =	sshll.u32 s26, $0x1;
	_ =	strace $0x80000046;
	[dreg:$0x1] =	wrdreg $0xFFFFFFFF  }
0xa8: {  	s28 =	simm.s32 $_size_execute0_lowered;
	s4 =	sadd.s32 s4, s5;
	[dreg:$0x0] =	wrdreg $0x0  }
0xa9: {  	s5 =	sshll.u32 s28, $0x1;
	[dreg:$0x2] =	wrdreg s4  }
0xaa: {  	[dreg:$0x3] =	wrdreg s5  }
0xab: {  	[dreg:$0x4] =	wrdreg $0xC0  }
0xac: {  	_ =	task [dreg:s8], $0x5FFFF  }
0xad: {  	[dreg:$0x1] =	wrdreg $0xFFFFFFFF  }
0xae: {  	[dreg:$0x0] =	wrdreg $0x60  }
0xaf: {  	[dreg:$0x2] =	wrdreg s2  }
0xb0: {  	[dreg:$0x3] =	wrdreg s19  }
0xb1: {  	[dreg:$0x4] =	wrdreg $0x9  }
0xb2: {  	_ =	task.clear_ibuf [dreg:s8], $0x5FFFF;
	_ =	strace $0x90000046  }
0xb3: {  	s29 =	simm.s32 $0x9;
	_ =	strace $0x80000048  }
0xb4: {  	_ =	swait.ge [sflag:s29], $0x1  }
0xb5: {  	[sflag:s29] =	ssyncadd.s32 $0xFFFFFFFF  }
0xb6: {  	_ =	strace $0x90000048  }
0xb7: {  	_ =	sfence  }
0xb8: {  	s30 =	sld [smem:$0x0];
	_ =	sdelay $0x2  }
0xb9: {  	s31 =	sshll.u32 s1, $0xD;
	s1 =	sshrl.u32 s1, $0x2  }
0xba: {  	s3 =	sand.u32 $0x4000, s31;
	s1 =	sadd.s32 s1, s30  }
0xbb: {  	s0 =	sor.u32 s3, s0;
	s1 =	sshll.u32 s1, $0x11  }
0xbc: {  	s0 =	sor.u32 s1, s0  }
0xbd: {  	s0 =	sadd.s32 $0x8F2B, s0  }
0xbe: {  	[sflag:s0] =	ssyncadd.remote.s32 $0x1  }
0xbf: {  	_ =	sfence.sel $0xFFFF  }
0xc0: {  	[dreg:$0x0] =	wrdreg $0xFFFFFFFF;
	(pc) =	sbr.abs _section_cstart, $3  }
0xc1: {  	[dreg:$0x1] =	wrdreg $0xFFFFFFFF  }
0xc2: {  	_ =	task.clear_ibuf [dreg:s8], $0x2FFFF;
	_ =	strace $0x9FFFFFFF  }
0xc3: {  	(tm) =	ssettm $0x7FFFFFFF  }
tec
execute0_lowered:
.L_overlay_start_1:
0x0: {  	(tag) =	ssettag $0x1  }
0x1: {  	s1 =	srdreg.scid;
	s0 =	stileid.u32  }
0x2: {  	s4 =	sand.u32 $0x1, s1;
	s16 =	sshll.u32 s0, $0x1  }
0x3: {  	s7 =	sor.u32 s4, s16  }
0x4: {  	s3 =	simm.s32 $0x2BF200;
	p0 =	seq.s32 s7, $0x1  }
0x5: {  	p1 =	seq.s32 s7, $0x2;
	s3 =	simm.s32 @!p0 $0x35B600  }
0x6: {  	p0 =	seq.s32 s7, $0x3;
	s3 =	simm.s32 @p1 $0xEA600  }
0x7: {  	p1 =	seq.s32 s7, $0x4;
	s3 =	simm.s32 @p0 $0x3F7A00  }
0x8: {  	p0 =	seq.s32 s7, $0x5;
	s3 =	simm.s32 @p1 $0x334500  }
0x9: {  	p1 =	seq.s32 s7, $0x6;
	s3 =	simm.s32 @p0 $0x41EB00  }
0xa: {  	p0 =	seq.s32 s7, $0x7;
	s3 =	simm.s32 @p1 $0x186A00  }
0xb: {  	p1 =	seq.s32 s7, $0x8;
	s3 =	simm.s32 @p0 $0x30D400  }
0xc: {  	p0 =	seq.s32 s7, $0x9;
	s3 =	simm.s32 @p1 $0x3A9800  }
0xd: {  	p1 =	seq.s32 s7, $0xA;
	s3 =	simm.s32 @p0 $0x9C400  }
0xe: {  	p0 =	seq.s32 s7, $0xB;
	s3 =	simm.s32 @p1 $0x4BAF00  }
0xf: {  	p1 =	seq.s32 s7, $0xC;
	s3 =	simm.s32 @p0 $0x222E00  }
0x10: {  	p0 =	seq.s32 s7, $0xD;
	s3 =	simm.s32 @p1 $0x0  }
0x11: {  	p1 =	seq.s32 s7, $0xE;
	s3 =	simm.s32 @p0 $0x75300  }
0x12: {  	p0 =	seq.s32 s7, $0xF;
	s3 =	simm.s32 @p1 $0xC3500  }
0x13: {  	p1 =	seq.s32 s7, $0x10;
	s3 =	simm.s32 @p0 $0x298100  }
0x14: {  	p0 =	seq.s32 s7, $0x11;
	s3 =	simm.s32 @p1 $0x445C00  }
0x15: {  	p1 =	seq.s32 s7, $0x12;
	s3 =	simm.s32 @p0 $0x4E200  }
0x16: {  	p0 =	seq.s32 s7, $0x13;
	s3 =	simm.s32 @p1 $0x382700  }
0x17: {  	p1 =	seq.s32 s7, $0x14;
	s3 =	simm.s32 @p0 $0x27100  }
0x18: {  	p0 =	seq.s32 s7, $0x15;
	s3 =	simm.s32 @p1 $0x138800  }
0x19: {  	p1 =	seq.s32 s7, $0x16;
	s3 =	simm.s32 @p0 $0x271000  }
0x1a: {  	p0 =	seq.s32 s7, $0x17;
	s3 =	simm.s32 @p1 $0x493E00  }
0x1b: {  	p1 =	seq.s32 s7, $0x18;
	s3 =	simm.s32 @p0 $0x111700  }
0x1c: {  	p0 =	seq.s32 s7, $0x19;
	s3 =	simm.s32 @p1 $0x2E6300  }
0x1d: {  	p1 =	seq.s32 s7, $0x1A;
	s3 =	simm.s32 @p0 $0x249F00  }
0x1e: {  	p0 =	seq.s32 s7, $0x1B;
	s3 =	simm.s32 @p1 $0x15F900  }
0x1f: {  	p1 =	seq.s32 s7, $0x1C;
	s3 =	simm.s32 @p0 $0x1FBD00  }
0x20: {  	p0 =	seq.s32 s7, $0x1D;
	s3 =	simm.s32 @p1 $0x1ADB00;
	p1 =	seq.s32 s7, $0x1E  }
0x21: {  	s3 =	simm.s32 @p0 $0x3D0900;
	p0 =	seq.s32 s7, $0x1F;
	s7 =	smul.u32 $0x27100, s7  }
0x22: {  	s6 =	rddreg [dreg:$0x0]  }
0x23: {  	s5 =	rddreg [dreg:$0x1];
	s7 =	sshrl.u32 s7, $0x3  }
0x24: {  	s2 =	simm.s32 $0x0;
	s1 =	rddreg [dreg:$0x2];
	s15 =	sadd.s32 s5, s7  }
0x25: {  	[smem:$0x7FF] =	sst s2;
	s20 =	sadd.s32 $0x9C4, s15  }
0x26: {  	_ =	strace $0x80000047;
	s22 =	sadd.s32 $0x1388, s15;
	[dreg:$0x7] =	wrdreg s20  }
0x27: {  	s24 =	sadd.s32 $0x1D4C, s15;
	[dreg:$0x9] =	wrdreg s22  }
0x28: {  	s9 =	sadd.s32 $0x9C400, s7;
	s26 =	sadd.s32 $0x2710, s15;
	[dreg:$0xb] =	wrdreg s24  }
0x29: {  	s3 =	simm.s32 @p1 $0x1D4C00;
	s28 =	sadd.s32 s6, s9;
	[dreg:$0xd] =	wrdreg s26  }
0x2a: {  	s10 =	sadd.s32 $0x9CDC4, s7;
	s29 =	sadd.s32 $0x30D4, s15;
	[dreg:$0xe] =	wrdreg s28  }
0x2b: {  	s3 =	simm.s32 @p0 $0x46CD00;
	s30 =	sadd.s32 s6, s10;
	[dreg:$0xf] =	wrdreg s29  }
0x2c: {  	s11 =	sadd.s32 $0x9D788, s7;
	s31 =	sadd.s32 $0x3A98, s15;
	[dreg:$0x10] =	wrdreg s30  }
0x2d: {  	s8 =	sshrl.u32 s3, $0x3;
	s12 =	sadd.s32 s6, s11;
	[dreg:$0x11] =	wrdreg s31  }
0x2e: {  	s16 =	sadd.s32 s6, s8;
	s13 =	sadd.s32 $0x445C, s15;
	[dreg:$0x12] =	wrdreg s12  }
0x2f: {  	s4 =	ssub.s32 $0x2, s4;
	s8 =	sadd.s32 $0x9C4, s16;
	[dreg:$0x13] =	wrdreg s13  }
0x30: {  	p1 =	por $0x0, $0x0;
	s17 =	sadd.s32 $0x1388, s16;
	[dreg:$0x3] =	wrdreg s8  }
0x31: {  	s3 =	sand.u32 $0x7, s3;
	s18 =	sadd.s32 $0x1D4C, s16;
	[dreg:$0x4] =	wrdreg s17  }
0x32: {  	p0 =	seq.s32 s3, $0x0;
	s19 =	sadd.s32 $0x2710, s16;
	[dreg:$0x5] =	wrdreg s18  }
0x33: {  	s3 =	simm.s32 $0x6;
	s21 =	sadd.s32 $0x30D4, s16;
	[dreg:$0x6] =	wrdreg s19  }
0x34: {  	s23 =	sadd.s32 $0x3A98, s16;
	s25 =	sadd.s32 $0x445C, s16;
	[dreg:$0x8] =	wrdreg s21  }
0x35: {  	s12 =	sadd.s32 $0x9E14C, s7;
	s20 =	sadd.s32 s5, s10;
	[dreg:$0xa] =	wrdreg s23  }
0x36: {  	s24 =	sadd.s32 $0x9FE98, s7;
	s28 =	sshrl.u32 s4, $0x1;
	[dreg:$0xc] =	wrdreg s25  }
0x37: {  	s13 =	simm.s32 $0x1;
	s14 =	sadd.s32 s6, s12;
	[dreg:$0x17] =	wrdreg s20  }
0x38: {  	s10 =	simm.s32 $0x4;
	s17 =	sadd.s32 s5, s9;
	[dreg:$0x14] =	wrdreg s14  }
0x39: {  	s18 =	sadd.s32 $0x9EB10, s7;
	s23 =	sadd.s32 s5, s11;
	[dreg:$0x15] =	wrdreg s17  }
0x3a: {  	s21 =	sadd.s32 $0x9F4D4, s7;
	s25 =	sadd.s32 s6, s24;
	[dreg:$0x19] =	wrdreg s23  }
0x3b: {  	s26 =	sadd.s32 s5, s12;
	s7 =	sadd.s32 $0xA085C, s7;
	[dreg:$0x1a] =	wrdreg s25  }
0x3c: {  	s4 =	ssub.s32 s4, s28;
	s31 =	sadd.s32 s5, s24;
	[dreg:$0x1b] =	wrdreg s26  }
0x3d: {  	s9 =	simm.s32 $0x4E80;
	s19 =	sadd.s32 s6, s18;
	[dreg:$0x1f] =	wrdreg s31  }
0x3e: {  	s29 =	sadd.s32 s5, s18;
	s4 =	smax.u32 s4, $0x1;
	s18 =	sld [smem:$0x7FF]  }
0x3f: {  	s22 =	sadd.s32 s6, s21;
	[dreg:$0x16] =	wrdreg s19;
	s17 =	sadd.s32 $0xFFFFFFFF, s4  }
0x40: {  	s6 =	sadd.s32 s6, s7;
	[dreg:$0x18] =	wrdreg s22;
	p2 =	sne.s32 s17, $0x0  }
.Ltmp0:
0x41: {  	s8 =	simm.s32 $0x9D00;
	[dreg:$0x1c] =	wrdreg s6;
	(pc) =	sbr.rel @!p2 .LBB2_3-.Ltmp0, $4  }
0x42: {  	s12 =	simm.s32 $0x2;
	s30 =	sadd.s32 s5, s21;
	[dreg:$0x1d] =	wrdreg s29  }
0x43: {  	s11 =	simm.s32 $0x3;
	s5 =	sadd.s32 s5, s7;
	[dreg:$0x1e] =	wrdreg s30  }
0x44: {  	s14 =	sadd.s32 $0x3FEA, s0;
	s7 =	simm.s32 $0xEB80;
	[smem:$0x7FD] =	sst s5  }
0x45: {  	s6 =	simm.s32 $0x5;
	s4 =	simm.s32 $0x7;
	s5 =	simm.s32 $0x8  }
0x46: {  	p1 =	sne.s32 @!p0 s18, $0x1  }
0x47: {  	p1 =	por !p1, p0  }
0x48: {  	s18 =	sor.u32 @!p1 $0x100000, s14  }
0x49: {  	[smem:s18], [sflag:$0x0] =	smem.add.s32 @!p1 $0xE2;
	s18 =	simm.s32 @!p1 $0x0  }
0x4a: {  	s19 =	simm.s32 @!p1 $0x1;
	_ =	swait.done @!p1 [sflag:s18]  }
0x4b: {  	[smem:$0x7FF] =	sst @!p1 s19  }
0x4c: {  	_ =	sint @!p1 $0x2  }
0x4d: {  	_ =	swait.notdone @!p1 [sflag:s18]  }
0x4e: {  	s18 =	sld [smem:$0x7FF];
	_ =	sdelay $0x1  }
0x4f: {  	[tilespmem:s2], [sflag:$0x1] =	stream.linear.gather [hbm4b:s16+s2], $0x4E20, $0x38;
	[tilespmem:$0x13A00] =	vst v63  }
0x50: {  	p1 =	sne.s32 @!p0 s18, $0x1  }
0x51: {  	p1 =	por !p1, p0  }
0x52: {  	s18 =	sor.u32 @!p1 $0x100000, s14  }
0x53: {  	[smem:s18], [sflag:$0x0] =	smem.add.s32 @!p1 $0xE2;
	s18 =	simm.s32 @!p1 $0x0  }
0x54: {  	s19 =	simm.s32 @!p1 $0x1;
	_ =	swait.done @!p1 [sflag:s18]  }
0x55: {  	[smem:$0x7FF] =	sst @!p1 s19  }
0x56: {  	_ =	sint @!p1 $0x2  }
0x57: {  	_ =	swait.notdone @!p1 [sflag:s18]  }
0x58: {  	s18 =	sld [smem:$0x7FF]  }
0x59: {  	s25 =	rddreg [dreg:$0x3]  }
0x5a: {  	[tilespmem:s9], [sflag:$0x2] =	stream.linear.gather [hbm4b:s25+s2], $0x4E20, $0x38;
	[tilespmem:$0x13A00] =	vst v63  }
0x5b: {  	p1 =	sne.s32 @!p0 s18, $0x1  }
0x5c: {  	p1 =	por !p1, p0  }
0x5d: {  	s19 =	sor.u32 @!p1 $0x100000, s14  }
0x5e: {  	[smem:s19], [sflag:$0x0] =	smem.add.s32 @!p1 $0xE2;
	s19 =	simm.s32 @!p1 $0x0  }
0x5f: {  	s18 =	simm.s32 @!p1 $0x1;
	_ =	swait.done @!p1 [sflag:s19]  }
0x60: {  	[smem:$0x7FF] =	sst @!p1 s18  }
0x61: {  	_ =	sint @!p1 $0x2  }
0x62: {  	_ =	swait.notdone @!p1 [sflag:s19]  }
0x63: {  	s18 =	sld [smem:$0x7FF]  }
0x64: {  	s26 =	rddreg [dreg:$0x4]  }
0x65: {  	[tilespmem:s8], [sflag:$0x3] =	stream.linear.gather [hbm4b:s26+s2], $0x4E20, $0x38;
	[tilespmem:$0x13A00] =	vst v63  }
0x66: {  	p1 =	sne.s32 @!p0 s18, $0x1  }
0x67: {  	p1 =	por !p1, p0  }
0x68: {  	s19 =	sor.u32 @!p1 $0x100000, s14  }
0x69: {  	[smem:s19], [sflag:$0x0] =	smem.add.s32 @!p1 $0xE3;
	s19 =	simm.s32 @!p1 $0x0  }
0x6a: {  	s18 =	simm.s32 @!p1 $0x1;
	_ =	swait.done @!p1 [sflag:s19]  }
0x6b: {  	[smem:$0x7FF] =	sst @!p1 s18  }
0x6c: {  	_ =	sint @!p1 $0x2  }
0x6d: {  	_ =	swait.notdone @!p1 [sflag:s19]  }
0x6e: {  	s28 =	rddreg [dreg:$0x5]  }
0x6f: {  	[tilespmem:s7], [sflag:$0x4] =	stream.linear.gather [hbm4b:s28+s2], $0x4E20, $0x38;
	[tilespmem:$0x13A00] =	vst v63  }
0x70: {  	_ =	swait.ge [sflag:s13], $0x4E20  }
0x71: {  	[sflag:s13] =	ssyncset.done $0x0  }
0x72: {  	[sflag:s13] =	ssyncadd.s32 $0xFFFFB1E0  }
0x73: {  	[hbm4b:s15+s2] =	stream.linear.scatter [tilespmem:s2], [sflag:$0x5], $0x4E20, $0x38;
	[tilespmem:$0x13A00] =	vst v63  }
0x74: {  	_ =	swait.ge [sflag:s6], $0x4E20  }
0x75: {  	s18 =	sld [smem:$0x7FF];
	_ =	sdelay $0x2  }
0x76: {  	p1 =	sne.s32 @!p0 s18, $0x1  }
0x77: {  	[sflag:s6] =	ssyncset.done $0x0;
	p1 =	por !p1, p0  }
0x78: {  	[sflag:s6] =	ssyncadd.s32 $0xFFFFB1E0;
	s18 =	sor.u32 @!p1 $0x100000, s14  }
0x79: {  	s19 =	simm.s32 @!p1 $0x0;
	[smem:s18], [sflag:$0x0] =	smem.add.s32 @!p1 $0xE7  }
0x7a: {  	s18 =	simm.s32 @!p1 $0x1;
	_ =	swait.done @!p1 [sflag:s19]  }
0x7b: {  	[smem:$0x7FF] =	sst @!p1 s18  }
0x7c: {  	_ =	sint @!p1 $0x2  }
0x7d: {  	_ =	swait.notdone @!p1 [sflag:s19]  }
0x7e: {  	s29 =	rddreg [dreg:$0x6]  }
0x7f: {  	[tilespmem:s2], [sflag:$0x1] =	stream.linear.gather [hbm4b:s29+s2], $0x4E20, $0x38;
	[tilespmem:$0x13A00] =	vst v63  }
0x80: {  	_ =	swait.ge [sflag:s12], $0x4E20  }
0x81: {  	[sflag:s12] =	ssyncset.done $0x0  }
0x82: {  	s30 =	rddreg [dreg:$0x7];
	[sflag:s12] =	ssyncadd.s32 $0xFFFFB1E0  }
0x83: {  	[hbm4b:s30+s2] =	stream.linear.scatter [tilespmem:s9], [sflag:$0x6], $0x4E20, $0x38;
	[tilespmem:$0x13A00] =	vst v63  }
0x84: {  	_ =	swait.ge [sflag:s3], $0x4E20  }
0x85: {  	s18 =	sld [smem:$0x7FF];
	_ =	sdelay $0x2  }
0x86: {  	p1 =	sne.s32 @!p0 s18, $0x1  }
0x87: {  	[sflag:s3] =	ssyncset.done $0x0;
	p1 =	por !p1, p0  }
0x88: {  	[sflag:s3] =	ssyncadd.s32 $0xFFFFB1E0;
	s18 =	sor.u32 @!p1 $0x100000, s14  }
0x89: {  	s19 =	simm.s32 @!p1 $0x0;
	[smem:s18], [sflag:$0x0] =	smem.add.s32 @!p1 $0xEB  }
0x8a: {  	s18 =	simm.s32 @!p1 $0x1;
	_ =	swait.done @!p1 [sflag:s19]  }
0x8b: {  	[smem:$0x7FF] =	sst @!p1 s18  }
0x8c: {  	_ =	sint @!p1 $0x2  }
0x8d: {  	_ =	swait.notdone @!p1 [sflag:s19]  }
0x8e: {  	s31 =	rddreg [dreg:$0x8]  }
0x8f: {  	[tilespmem:s9], [sflag:$0x2] =	stream.linear.gather [hbm4b:s31+s2], $0x4E20, $0x38;
	[tilespmem:$0x13A00] =	vst v63  }
0x90: {  	_ =	swait.ge [sflag:s11], $0x4E20  }
0x91: {  	[sflag:s11] =	ssyncset.done $0x0  }
0x92: {  	s19 =	rddreg [dreg:$0x9];
	[sflag:s11] =	ssyncadd.s32 $0xFFFFB1E0  }
0x93: {  	[hbm4b:s19+s2] =	stream.linear.scatter [tilespmem:s8], [sflag:$0x7], $0x4E20, $0x38;
	[tilespmem:$0x13A00] =	vst v63  }
0x94: {  	_ =	swait.ge [sflag:s4], $0x4E20  }
0x95: {  	s18 =	sld [smem:$0x7FF];
	_ =	sdelay $0x2  }
0x96: {  	p1 =	sne.s32 @!p0 s18, $0x1  }
0x97: {  	[sflag:s4] =	ssyncset.done $0x0;
	p1 =	por !p1, p0  }
0x98: {  	[sflag:s4] =	ssyncadd.s32 $0xFFFFB1E0;
	s18 =	sor.u32 @!p1 $0x100000, s14  }
0x99: {  	s19 =	simm.s32 @!p1 $0x0;
	[smem:s18], [sflag:$0x0] =	smem.add.s32 @!p1 $0xEF  }
0x9a: {  	s18 =	simm.s32 @!p1 $0x1;
	_ =	swait.done @!p1 [sflag:s19]  }
0x9b: {  	[smem:$0x7FF] =	sst @!p1 s18  }
0x9c: {  	_ =	sint @!p1 $0x2  }
0x9d: {  	_ =	swait.notdone @!p1 [sflag:s19]  }
0x9e: {  	s20 =	rddreg [dreg:$0xa]  }
0x9f: {  	[tilespmem:s8], [sflag:$0x3] =	stream.linear.gather [hbm4b:s20+s2], $0x4E20, $0x38;
	[tilespmem:$0x13A00] =	vst v63  }
0xa0: {  	_ =	swait.ge [sflag:s10], $0x4E20  }
0xa1: {  	[sflag:s10] =	ssyncset.done $0x0  }
0xa2: {  	s21 =	rddreg [dreg:$0xb];
	[sflag:s10] =	ssyncadd.s32 $0xFFFFB1E0  }
0xa3: {  	[hbm4b:s21+s2] =	stream.linear.scatter [tilespmem:s7], [sflag:$0x8], $0x4E20, $0x38;
	[tilespmem:$0x13A00] =	vst v63  }
0xa4: {  	_ =	swait.ge [sflag:s5], $0x4E20  }
0xa5: {  	s18 =	sld [smem:$0x7FF];
	_ =	sdelay $0x2  }
0xa6: {  	p1 =	sne.s32 @!p0 s18, $0x1  }
0xa7: {  	[sflag:s5] =	ssyncset.done $0x0;
	p1 =	por !p1, p0  }
0xa8: {  	[sflag:s5] =	ssyncadd.s32 $0xFFFFB1E0;
	s18 =	sor.u32 @!p1 $0x100000, s14  }
0xa9: {  	s19 =	simm.s32 @!p1 $0x0;
	[smem:s18], [sflag:$0x0] =	smem.add.s32 @!p1 $0xF3  }
0xaa: {  	s18 =	simm.s32 @!p1 $0x1;
	_ =	swait.done @!p1 [sflag:s19]  }
0xab: {  	[smem:$0x7FF] =	sst @!p1 s18  }
0xac: {  	_ =	sint @!p1 $0x2  }
0xad: {  	_ =	swait.notdone @!p1 [sflag:s19]  }
0xae: {  	s22 =	rddreg [dreg:$0xc]  }
0xaf: {  	[tilespmem:s7], [sflag:$0x4] =	stream.linear.gather [hbm4b:s22+s2], $0x4E20, $0x38;
	[tilespmem:$0x13A00] =	vst v63  }
0xb0: {  	_ =	swait.ge [sflag:s13], $0x4E20  }
0xb1: {  	[sflag:s13] =	ssyncset.done $0x0  }
0xb2: {  	s23 =	rddreg [dreg:$0xd];
	[sflag:s13] =	ssyncadd.s32 $0xFFFFB1E0  }
0xb3: {  	[hbm4b:s23+s2] =	stream.linear.scatter [tilespmem:s2], [sflag:$0x5], $0x4E20, $0x38;
	[tilespmem:$0x13A00] =	vst v63  }
0xb4: {  	_ =	swait.ge [sflag:s6], $0x4E20  }
0xb5: {  	[sflag:s6] =	ssyncset.done $0x0  }
0xb6: {  	s24 =	rddreg [dreg:$0xe];
	[sflag:s6] =	ssyncadd.s32 $0xFFFFB1E0  }
0xb7: {  	[tilespmem:s2], [sflag:$0x1] =	stream.linear.gather [hbm4b:s24+s2], $0x4E20, $0x38;
	[tilespmem:$0x13A00] =	vst v63  }
0xb8: {  	_ =	swait.ge [sflag:s12], $0x4E20  }
0xb9: {  	[sflag:s12] =	ssyncset.done $0x0  }
0xba: {  	s25 =	rddreg [dreg:$0xf];
	[sflag:s12] =	ssyncadd.s32 $0xFFFFB1E0  }
0xbb: {  	[hbm4b:s25+s2] =	stream.linear.scatter [tilespmem:s9], [sflag:$0x6], $0x4E20, $0x38;
	[tilespmem:$0x13A00] =	vst v63  }
0xbc: {  	_ =	swait.ge [sflag:s3], $0x4E20  }
0xbd: {  	[sflag:s3] =	ssyncset.done $0x0  }
0xbe: {  	s26 =	rddreg [dreg:$0x10];
	[sflag:s3] =	ssyncadd.s32 $0xFFFFB1E0  }
0xbf: {  	[tilespmem:s9], [sflag:$0x2] =	stream.linear.gather [hbm4b:s26+s2], $0x4E20, $0x38;
	[tilespmem:$0x13A00] =	vst v63  }
0xc0: {  	_ =	swait.ge [sflag:s11], $0x4E20  }
0xc1: {  	[sflag:s11] =	ssyncset.done $0x0  }
0xc2: {  	s28 =	rddreg [dreg:$0x11];
	[sflag:s11] =	ssyncadd.s32 $0xFFFFB1E0  }
0xc3: {  	[hbm4b:s28+s2] =	stream.linear.scatter [tilespmem:s8], [sflag:$0x7], $0x4E20, $0x38;
	[tilespmem:$0x13A00] =	vst v63  }
0xc4: {  	_ =	swait.ge [sflag:s4], $0x4E20  }
0xc5: {  	[sflag:s4] =	ssyncset.done $0x0  }
0xc6: {  	s29 =	rddreg [dreg:$0x12];
	[sflag:s4] =	ssyncadd.s32 $0xFFFFB1E0  }
0xc7: {  	[tilespmem:s8], [sflag:$0x3] =	stream.linear.gather [hbm4b:s29+s2], $0x4E20, $0x38;
	[tilespmem:$0x13A00] =	vst v63  }
0xc8: {  	_ =	swait.ge [sflag:s10], $0x4E20  }
0xc9: {  	[sflag:s10] =	ssyncset.done $0x0  }
0xca: {  	s30 =	rddreg [dreg:$0x13];
	[sflag:s10] =	ssyncadd.s32 $0xFFFFB1E0  }
0xcb: {  	[hbm4b:s30+s2] =	stream.linear.scatter [tilespmem:s7], [sflag:$0x8], $0x4E20, $0x38;
	[tilespmem:$0x13A00] =	vst v63  }
0xcc: {  	_ =	swait.ge [sflag:s5], $0x4E20  }
0xcd: {  	[sflag:s5] =	ssyncset.done $0x0  }
0xce: {  	s31 =	rddreg [dreg:$0x14];
	[sflag:s5] =	ssyncadd.s32 $0xFFFFB1E0  }
0xcf: {  	[tilespmem:s7], [sflag:$0x4] =	stream.linear.gather [hbm4b:s31+s2], $0x4E20, $0x38;
	[tilespmem:$0x13A00] =	vst v63  }
0xd0: {  	_ =	swait.ge [sflag:s13], $0x4E20  }
0xd1: {  	[sflag:s13] =	ssyncset.done $0x0  }
0xd2: {  	s19 =	rddreg [dreg:$0x15];
	[sflag:s13] =	ssyncadd.s32 $0xFFFFB1E0  }
0xd3: {  	[hbm4b:s19+s2] =	stream.linear.scatter [tilespmem:s2], [sflag:$0x5], $0x4E20, $0x38;
	[tilespmem:$0x13A00] =	vst v63  }
0xd4: {  	_ =	swait.ge [sflag:s6], $0x4E20  }
0xd5: {  	[sflag:s6] =	ssyncset.done $0x0  }
0xd6: {  	s20 =	rddreg [dreg:$0x16];
	[sflag:s6] =	ssyncadd.s32 $0xFFFFB1E0  }
0xd7: {  	[tilespmem:s2], [sflag:$0x1] =	stream.linear.gather [hbm4b:s20+s2], $0x4E20, $0x38;
	[tilespmem:$0x13A00] =	vst v63  }
0xd8: {  	_ =	swait.ge [sflag:s12], $0x4E20  }
0xd9: {  	[sflag:s12] =	ssyncset.done $0x0  }
0xda: {  	s21 =	rddreg [dreg:$0x17];
	[sflag:s12] =	ssyncadd.s32 $0xFFFFB1E0  }
0xdb: {  	[hbm4b:s21+s2] =	stream.linear.scatter [tilespmem:s9], [sflag:$0x6], $0x4E20, $0x38;
	[tilespmem:$0x13A00] =	vst v63  }
0xdc: {  	_ =	swait.ge [sflag:s3], $0x4E20  }
0xdd: {  	[sflag:s3] =	ssyncset.done $0x0  }
0xde: {  	s22 =	rddreg [dreg:$0x18];
	[sflag:s3] =	ssyncadd.s32 $0xFFFFB1E0  }
0xdf: {  	[tilespmem:s9], [sflag:$0x2] =	stream.linear.gather [hbm4b:s22+s2], $0x4E20, $0x38;
	[tilespmem:$0x13A00] =	vst v63  }
0xe0: {  	_ =	swait.ge [sflag:s11], $0x4E20  }
0xe1: {  	[sflag:s11] =	ssyncset.done $0x0  }
0xe2: {  	s23 =	rddreg [dreg:$0x19];
	[sflag:s11] =	ssyncadd.s32 $0xFFFFB1E0  }
0xe3: {  	[hbm4b:s23+s2] =	stream.linear.scatter [tilespmem:s8], [sflag:$0x7], $0x4E20, $0x38;
	[tilespmem:$0x13A00] =	vst v63  }
0xe4: {  	_ =	swait.ge [sflag:s4], $0x4E20  }
0xe5: {  	[sflag:s4] =	ssyncset.done $0x0  }
0xe6: {  	s24 =	rddreg [dreg:$0x1a];
	[sflag:s4] =	ssyncadd.s32 $0xFFFFB1E0  }
0xe7: {  	[tilespmem:s8], [sflag:$0x3] =	stream.linear.gather [hbm4b:s24+s2], $0x4E20, $0x38;
	[tilespmem:$0x13A00] =	vst v63  }
0xe8: {  	_ =	swait.ge [sflag:s10], $0x4E20  }
0xe9: {  	[sflag:s10] =	ssyncset.done $0x0  }
0xea: {  	s25 =	rddreg [dreg:$0x1b];
	[sflag:s10] =	ssyncadd.s32 $0xFFFFB1E0  }
0xeb: {  	[hbm4b:s25+s2] =	stream.linear.scatter [tilespmem:s7], [sflag:$0x8], $0x4E20, $0x38;
	[tilespmem:$0x13A00] =	vst v63  }
0xec: {  	_ =	swait.ge [sflag:s5], $0x4E20  }
0xed: {  	[sflag:s5] =	ssyncset.done $0x0  }
0xee: {  	s26 =	rddreg [dreg:$0x1c];
	[sflag:s5] =	ssyncadd.s32 $0xFFFFB1E0  }
0xef: {  	[tilespmem:s7], [sflag:$0x4] =	stream.linear.gather [hbm4b:s26+s2], $0x4E20, $0x38;
	[tilespmem:$0x13A00] =	vst v63  }
0xf0: {  	_ =	swait.ge [sflag:s13], $0x4E20  }
0xf1: {  	[sflag:s13] =	ssyncset.done $0x0  }
0xf2: {  	s28 =	rddreg [dreg:$0x1d];
	[sflag:s13] =	ssyncadd.s32 $0xFFFFB1E0  }
0xf3: {  	[hbm4b:s28+s2] =	stream.linear.scatter [tilespmem:s2], [sflag:$0x5], $0x4E20, $0x38;
	[tilespmem:$0x13A00] =	vst v63  }
0xf4: {  	_ =	swait.ge [sflag:s12], $0x4E20  }
0xf5: {  	[sflag:s12] =	ssyncset.done $0x0  }
0xf6: {  	s29 =	rddreg [dreg:$0x1e];
	[sflag:s12] =	ssyncadd.s32 $0xFFFFB1E0  }
0xf7: {  	[hbm4b:s29+s2] =	stream.linear.scatter [tilespmem:s9], [sflag:$0x6], $0x4E20, $0x38;
	[tilespmem:$0x13A00] =	vst v63  }
0xf8: {  	_ =	swait.ge [sflag:s11], $0x4E20  }
0xf9: {  	[sflag:s11] =	ssyncset.done $0x0  }
0xfa: {  	s30 =	rddreg [dreg:$0x1f];
	[sflag:s11] =	ssyncadd.s32 $0xFFFFB1E0  }
0xfb: {  	[hbm4b:s30+s2] =	stream.linear.scatter [tilespmem:s8], [sflag:$0x7], $0x4E20, $0x38;
	[tilespmem:$0x13A00] =	vst v63  }
0xfc: {  	_ =	swait.ge [sflag:s10], $0x4E20  }
0xfd: {  	s31 =	sld [smem:$0x7FD]  }
0xfe: {  	[sflag:s10] =	ssyncset.done $0x0  }
0xff: {  	[sflag:s10] =	ssyncadd.s32 $0xFFFFB1E0  }
0x100: {  	[hbm4b:s31+s2] =	stream.linear.scatter [tilespmem:s7], [sflag:$0x8], $0x4E20, $0x38;
	[tilespmem:$0x13A00] =	vst v63  }
0x101: {  	_ =	swait.ge [sflag:s6], $0x4E20  }
0x102: {  	[sflag:s6] =	ssyncset.done $0x0  }
0x103: {  	s17 =	sadd.s32 $0xFFFFFFFF, s17;
	[sflag:s6] =	ssyncadd.s32 $0xFFFFB1E0  }
0x104: {  	p2 =	sne.s32 s17, $0x0;
	_ =	swait.ge [sflag:s3], $0x4E20  }
.Ltmp1:
0x105: {  	[sflag:s3] =	ssyncset.done $0x0;
	(pc) =	sbr.rel @!p2 .LBB2_3-.Ltmp1, $4  }
0x106: {  	[sflag:s3] =	ssyncadd.s32 $0xFFFFB1E0  }
0x107: {  	s18 =	sld [smem:$0x7FF];
	_ =	swait.ge [sflag:s4], $0x4E20  }
0x108: {  	[sflag:s4] =	ssyncset.done $0x0  }
0x109: {  	p1 =	por $0x1, $0x1;
	[sflag:s4] =	ssyncadd.s32 $0xFFFFB1E0  }
.LBB2_2:
0x10a: {  	p3 =	sne.s32 @!p0 s18, $0x1;
	_ =	swait.ge [sflag:s5], $0x4E20  }
0x10b: {  	p3 =	por !p3, p0;
	[sflag:s5] =	ssyncset.done $0x0  }
0x10c: {  	s18 =	sor.u32 @!p3 $0x100000, s14;
	[sflag:s5] =	ssyncadd.s32 $0xFFFFB1E0  }
0x10d: {  	[smem:s18], [sflag:$0x0] =	smem.add.s32 @!p3 $0xE2;
	s18 =	simm.s32 @!p3 $0x0  }
0x10e: {  	s19 =	simm.s32 @!p3 $0x1;
	_ =	swait.done @!p3 [sflag:s18]  }
0x10f: {  	[smem:$0x7FF] =	sst @!p3 s19  }
0x110: {  	_ =	sint @!p3 $0x2  }
0x111: {  	_ =	swait.notdone @!p3 [sflag:s18]  }
0x112: {  	s18 =	sld [smem:$0x7FF];
	_ =	sdelay $0x1  }
0x113: {  	[tilespmem:s2], [sflag:$0x1] =	stream.linear.gather [hbm4b:s16+s2], $0x4E20, $0x38;
	[tilespmem:$0x13A00] =	vst v63  }
0x114: {  	p3 =	sne.s32 @!p0 s18, $0x1  }
0x115: {  	p3 =	por !p3, p0  }
0x116: {  	s18 =	sor.u32 @!p3 $0x100000, s14  }
0x117: {  	[smem:s18], [sflag:$0x0] =	smem.add.s32 @!p3 $0xE2;
	s18 =	simm.s32 @!p3 $0x0  }
0x118: {  	s19 =	simm.s32 @!p3 $0x1;
	_ =	swait.done @!p3 [sflag:s18]  }
0x119: {  	[smem:$0x7FF] =	sst @!p3 s19  }
0x11a: {  	_ =	sint @!p3 $0x2  }
0x11b: {  	_ =	swait.notdone @!p3 [sflag:s18]  }
0x11c: {  	s18 =	sld [smem:$0x7FF]  }
0x11d: {  	s26 =	rddreg [dreg:$0x3]  }
0x11e: {  	[tilespmem:s9], [sflag:$0x2] =	stream.linear.gather [hbm4b:s26+s2], $0x4E20, $0x38;
	[tilespmem:$0x13A00] =	vst v63  }
0x11f: {  	p3 =	sne.s32 @!p0 s18, $0x1  }
0x120: {  	p3 =	por !p3, p0  }
0x121: {  	s18 =	sor.u32 @!p3 $0x100000, s14  }
0x122: {  	[smem:s18], [sflag:$0x0] =	smem.add.s32 @!p3 $0xE2;
	s18 =	simm.s32 @!p3 $0x0  }
0x123: {  	s20 =	simm.s32 @!p3 $0x1;
	_ =	swait.done @!p3 [sflag:s18]  }
0x124: {  	[smem:$0x7FF] =	sst @!p3 s20  }
0x125: {  	_ =	sint @!p3 $0x2  }
0x126: {  	_ =	swait.notdone @!p3 [sflag:s18]  }
0x127: {  	s18 =	sld [smem:$0x7FF]  }
0x128: {  	s28 =	rddreg [dreg:$0x4]  }
0x129: {  	[tilespmem:s8], [sflag:$0x3] =	stream.linear.gather [hbm4b:s28+s2], $0x4E20, $0x38;
	[tilespmem:$0x13A00] =	vst v63  }
0x12a: {  	p3 =	sne.s32 @!p0 s18, $0x1  }
0x12b: {  	p3 =	por !p3, p0  }
0x12c: {  	s18 =	sor.u32 @!p3 $0x100000, s14  }
0x12d: {  	[smem:s18], [sflag:$0x0] =	smem.add.s32 @!p3 $0xE3;
	s18 =	simm.s32 @!p3 $0x0  }
0x12e: {  	s20 =	simm.s32 @!p3 $0x1;
	_ =	swait.done @!p3 [sflag:s18]  }
0x12f: {  	[smem:$0x7FF] =	sst @!p3 s20  }
0x130: {  	_ =	sint @!p3 $0x2  }
0x131: {  	_ =	swait.notdone @!p3 [sflag:s18]  }
0x132: {  	s18 =	rddreg [dreg:$0x5]  }
0x133: {  	[tilespmem:s7], [sflag:$0x4] =	stream.linear.gather [hbm4b:s18+s2], $0x4E20, $0x38;
	[tilespmem:$0x13A00] =	vst v63  }
0x134: {  	_ =	swait.ge [sflag:s13], $0x4E20  }
0x135: {  	[sflag:s13] =	ssyncset.done $0x0  }
0x136: {  	[sflag:s13] =	ssyncadd.s32 $0xFFFFB1E0  }
0x137: {  	[hbm4b:s15+s2] =	stream.linear.scatter [tilespmem:s2], [sflag:$0x5], $0x4E20, $0x38;
	[tilespmem:$0x13A00] =	vst v63  }
0x138: {  	_ =	swait.ge [sflag:s6], $0x4E20  }
0x139: {  	s18 =	sld [smem:$0x7FF];
	_ =	sdelay $0x2  }
0x13a: {  	p3 =	sne.s32 @!p0 s18, $0x1  }
0x13b: {  	[sflag:s6] =	ssyncset.done $0x0;
	p3 =	por !p3, p0  }
0x13c: {  	[sflag:s6] =	ssyncadd.s32 $0xFFFFB1E0;
	s18 =	sor.u32 @!p3 $0x100000, s14  }
0x13d: {  	s19 =	simm.s32 @!p3 $0x0;
	[smem:s18], [sflag:$0x0] =	smem.add.s32 @!p3 $0xE7  }
0x13e: {  	s18 =	simm.s32 @!p3 $0x1;
	_ =	swait.done @!p3 [sflag:s19]  }
0x13f: {  	[smem:$0x7FF] =	sst @!p3 s18  }
0x140: {  	_ =	sint @!p3 $0x2  }
0x141: {  	_ =	swait.notdone @!p3 [sflag:s19]  }
0x142: {  	s29 =	rddreg [dreg:$0x6]  }
0x143: {  	[tilespmem:s2], [sflag:$0x1] =	stream.linear.gather [hbm4b:s29+s2], $0x4E20, $0x38;
	[tilespmem:$0x13A00] =	vst v63  }
0x144: {  	_ =	swait.ge [sflag:s12], $0x4E20  }
0x145: {  	[sflag:s12] =	ssyncset.done $0x0  }
0x146: {  	s30 =	rddreg [dreg:$0x7];
	[sflag:s12] =	ssyncadd.s32 $0xFFFFB1E0  }
0x147: {  	[hbm4b:s30+s2] =	stream.linear.scatter [tilespmem:s9], [sflag:$0x6], $0x4E20, $0x38;
	[tilespmem:$0x13A00] =	vst v63  }
0x148: {  	_ =	swait.ge [sflag:s3], $0x4E20  }
0x149: {  	s18 =	sld [smem:$0x7FF];
	_ =	sdelay $0x2  }
0x14a: {  	p3 =	sne.s32 @!p0 s18, $0x1  }
0x14b: {  	[sflag:s3] =	ssyncset.done $0x0;
	p3 =	por !p3, p0  }
0x14c: {  	[sflag:s3] =	ssyncadd.s32 $0xFFFFB1E0;
	s18 =	sor.u32 @!p3 $0x100000, s14  }
0x14d: {  	s19 =	simm.s32 @!p3 $0x0;
	[smem:s18], [sflag:$0x0] =	smem.add.s32 @!p3 $0xEB  }
0x14e: {  	s18 =	simm.s32 @!p3 $0x1;
	_ =	swait.done @!p3 [sflag:s19]  }
0x14f: {  	[smem:$0x7FF] =	sst @!p3 s18  }
0x150: {  	_ =	sint @!p3 $0x2  }
0x151: {  	_ =	swait.notdone @!p3 [sflag:s19]  }
0x152: {  	s31 =	rddreg [dreg:$0x8]  }
0x153: {  	[tilespmem:s9], [sflag:$0x2] =	stream.linear.gather [hbm4b:s31+s2], $0x4E20, $0x38;
	[tilespmem:$0x13A00] =	vst v63  }
0x154: {  	_ =	swait.ge [sflag:s11], $0x4E20  }
0x155: {  	[sflag:s11] =	ssyncset.done $0x0  }
0x156: {  	s19 =	rddreg [dreg:$0x9];
	[sflag:s11] =	ssyncadd.s32 $0xFFFFB1E0  }
0x157: {  	[hbm4b:s19+s2] =	stream.linear.scatter [tilespmem:s8], [sflag:$0x7], $0x4E20, $0x38;
	[tilespmem:$0x13A00] =	vst v63  }
0x158: {  	_ =	swait.ge [sflag:s4], $0x4E20  }
0x159: {  	s18 =	sld [smem:$0x7FF];
	_ =	sdelay $0x2  }
0x15a: {  	p3 =	sne.s32 @!p0 s18, $0x1  }
0x15b: {  	[sflag:s4] =	ssyncset.done $0x0;
	p3 =	por !p3, p0  }
0x15c: {  	[sflag:s4] =	ssyncadd.s32 $0xFFFFB1E0;
	s18 =	sor.u32 @!p3 $0x100000, s14  }
0x15d: {  	s19 =	simm.s32 @!p3 $0x0;
	[smem:s18], [sflag:$0x0] =	smem.add.s32 @!p3 $0xEF  }
0x15e: {  	s18 =	simm.s32 @!p3 $0x1;
	_ =	swait.done @!p3 [sflag:s19]  }
0x15f: {  	[smem:$0x7FF] =	sst @!p3 s18  }
0x160: {  	_ =	sint @!p3 $0x2  }
0x161: {  	_ =	swait.notdone @!p3 [sflag:s19]  }
0x162: {  	s20 =	rddreg [dreg:$0xa]  }
0x163: {  	[tilespmem:s8], [sflag:$0x3] =	stream.linear.gather [hbm4b:s20+s2], $0x4E20, $0x38;
	[tilespmem:$0x13A00] =	vst v63  }
0x164: {  	_ =	swait.ge [sflag:s10], $0x4E20  }
0x165: {  	[sflag:s10] =	ssyncset.done $0x0  }
0x166: {  	s21 =	rddreg [dreg:$0xb];
	[sflag:s10] =	ssyncadd.s32 $0xFFFFB1E0  }
0x167: {  	[hbm4b:s21+s2] =	stream.linear.scatter [tilespmem:s7], [sflag:$0x8], $0x4E20, $0x38;
	[tilespmem:$0x13A00] =	vst v63  }
0x168: {  	_ =	swait.ge [sflag:s5], $0x4E20  }
0x169: {  	s18 =	sld [smem:$0x7FF];
	_ =	sdelay $0x2  }
0x16a: {  	p3 =	sne.s32 @!p0 s18, $0x1  }
0x16b: {  	[sflag:s5] =	ssyncset.done $0x0;
	p3 =	por !p3, p0  }
0x16c: {  	[sflag:s5] =	ssyncadd.s32 $0xFFFFB1E0;
	s18 =	sor.u32 @!p3 $0x100000, s14  }
0x16d: {  	s19 =	simm.s32 @!p3 $0x0;
	[smem:s18], [sflag:$0x0] =	smem.add.s32 @!p3 $0xF3  }
0x16e: {  	s18 =	simm.s32 @!p3 $0x1;
	_ =	swait.done @!p3 [sflag:s19]  }
0x16f: {  	[smem:$0x7FF] =	sst @!p3 s18  }
0x170: {  	_ =	sint @!p3 $0x2  }
0x171: {  	_ =	swait.notdone @!p3 [sflag:s19]  }
0x172: {  	s22 =	rddreg [dreg:$0xc]  }
0x173: {  	[tilespmem:s7], [sflag:$0x4] =	stream.linear.gather [hbm4b:s22+s2], $0x4E20, $0x38;
	[tilespmem:$0x13A00] =	vst v63  }
0x174: {  	_ =	swait.ge [sflag:s13], $0x4E20  }
0x175: {  	[sflag:s13] =	ssyncset.done $0x0  }
0x176: {  	s23 =	rddreg [dreg:$0xd];
	[sflag:s13] =	ssyncadd.s32 $0xFFFFB1E0  }
0x177: {  	[hbm4b:s23+s2] =	stream.linear.scatter [tilespmem:s2], [sflag:$0x5], $0x4E20, $0x38;
	[tilespmem:$0x13A00] =	vst v63  }
0x178: {  	_ =	swait.ge [sflag:s6], $0x4E20  }
0x179: {  	[sflag:s6] =	ssyncset.done $0x0  }
0x17a: {  	s24 =	rddreg [dreg:$0xe];
	[sflag:s6] =	ssyncadd.s32 $0xFFFFB1E0  }
0x17b: {  	[tilespmem:s2], [sflag:$0x1] =	stream.linear.gather [hbm4b:s24+s2], $0x4E20, $0x38;
	[tilespmem:$0x13A00] =	vst v63  }
0x17c: {  	_ =	swait.ge [sflag:s12], $0x4E20  }
0x17d: {  	[sflag:s12] =	ssyncset.done $0x0  }
0x17e: {  	s25 =	rddreg [dreg:$0xf];
	[sflag:s12] =	ssyncadd.s32 $0xFFFFB1E0  }
0x17f: {  	[hbm4b:s25+s2] =	stream.linear.scatter [tilespmem:s9], [sflag:$0x6], $0x4E20, $0x38;
	[tilespmem:$0x13A00] =	vst v63  }
0x180: {  	_ =	swait.ge [sflag:s3], $0x4E20  }
0x181: {  	[sflag:s3] =	ssyncset.done $0x0  }
0x182: {  	s26 =	rddreg [dreg:$0x10];
	[sflag:s3] =	ssyncadd.s32 $0xFFFFB1E0  }
0x183: {  	[tilespmem:s9], [sflag:$0x2] =	stream.linear.gather [hbm4b:s26+s2], $0x4E20, $0x38;
	[tilespmem:$0x13A00] =	vst v63  }
0x184: {  	_ =	swait.ge [sflag:s11], $0x4E20  }
0x185: {  	[sflag:s11] =	ssyncset.done $0x0  }
0x186: {  	s28 =	rddreg [dreg:$0x11];
	[sflag:s11] =	ssyncadd.s32 $0xFFFFB1E0  }
0x187: {  	[hbm4b:s28+s2] =	stream.linear.scatter [tilespmem:s8], [sflag:$0x7], $0x4E20, $0x38;
	[tilespmem:$0x13A00] =	vst v63  }
0x188: {  	_ =	swait.ge [sflag:s4], $0x4E20  }
0x189: {  	[sflag:s4] =	ssyncset.done $0x0  }
0x18a: {  	s29 =	rddreg [dreg:$0x12];
	[sflag:s4] =	ssyncadd.s32 $0xFFFFB1E0  }
0x18b: {  	[tilespmem:s8], [sflag:$0x3] =	stream.linear.gather [hbm4b:s29+s2], $0x4E20, $0x38;
	[tilespmem:$0x13A00] =	vst v63  }
0x18c: {  	_ =	swait.ge [sflag:s10], $0x4E20  }
0x18d: {  	[sflag:s10] =	ssyncset.done $0x0  }
0x18e: {  	s30 =	rddreg [dreg:$0x13];
	[sflag:s10] =	ssyncadd.s32 $0xFFFFB1E0  }
0x18f: {  	[hbm4b:s30+s2] =	stream.linear.scatter [tilespmem:s7], [sflag:$0x8], $0x4E20, $0x38;
	[tilespmem:$0x13A00] =	vst v63  }
0x190: {  	_ =	swait.ge [sflag:s5], $0x4E20  }
0x191: {  	[sflag:s5] =	ssyncset.done $0x0  }
0x192: {  	s31 =	rddreg [dreg:$0x14];
	[sflag:s5] =	ssyncadd.s32 $0xFFFFB1E0  }
0x193: {  	[tilespmem:s7], [sflag:$0x4] =	stream.linear.gather [hbm4b:s31+s2], $0x4E20, $0x38;
	[tilespmem:$0x13A00] =	vst v63  }
0x194: {  	_ =	swait.ge [sflag:s13], $0x4E20  }
0x195: {  	[sflag:s13] =	ssyncset.done $0x0  }
0x196: {  	s19 =	rddreg [dreg:$0x15];
	[sflag:s13] =	ssyncadd.s32 $0xFFFFB1E0  }
0x197: {  	[hbm4b:s19+s2] =	stream.linear.scatter [tilespmem:s2], [sflag:$0x5], $0x4E20, $0x38;
	[tilespmem:$0x13A00] =	vst v63  }
0x198: {  	_ =	swait.ge [sflag:s6], $0x4E20  }
0x199: {  	[sflag:s6] =	ssyncset.done $0x0  }
0x19a: {  	s20 =	rddreg [dreg:$0x16];
	[sflag:s6] =	ssyncadd.s32 $0xFFFFB1E0  }
0x19b: {  	[tilespmem:s2], [sflag:$0x1] =	stream.linear.gather [hbm4b:s20+s2], $0x4E20, $0x38;
	[tilespmem:$0x13A00] =	vst v63  }
0x19c: {  	_ =	swait.ge [sflag:s12], $0x4E20  }
0x19d: {  	[sflag:s12] =	ssyncset.done $0x0  }
0x19e: {  	s21 =	rddreg [dreg:$0x17];
	[sflag:s12] =	ssyncadd.s32 $0xFFFFB1E0  }
0x19f: {  	[hbm4b:s21+s2] =	stream.linear.scatter [tilespmem:s9], [sflag:$0x6], $0x4E20, $0x38;
	[tilespmem:$0x13A00] =	vst v63  }
0x1a0: {  	_ =	swait.ge [sflag:s3], $0x4E20  }
0x1a1: {  	[sflag:s3] =	ssyncset.done $0x0  }
0x1a2: {  	s22 =	rddreg [dreg:$0x18];
	[sflag:s3] =	ssyncadd.s32 $0xFFFFB1E0  }
0x1a3: {  	[tilespmem:s9], [sflag:$0x2] =	stream.linear.gather [hbm4b:s22+s2], $0x4E20, $0x38;
	[tilespmem:$0x13A00] =	vst v63  }
0x1a4: {  	_ =	swait.ge [sflag:s11], $0x4E20  }
0x1a5: {  	[sflag:s11] =	ssyncset.done $0x0  }
0x1a6: {  	s23 =	rddreg [dreg:$0x19];
	[sflag:s11] =	ssyncadd.s32 $0xFFFFB1E0  }
0x1a7: {  	[hbm4b:s23+s2] =	stream.linear.scatter [tilespmem:s8], [sflag:$0x7], $0x4E20, $0x38;
	[tilespmem:$0x13A00] =	vst v63  }
0x1a8: {  	_ =	swait.ge [sflag:s4], $0x4E20  }
0x1a9: {  	[sflag:s4] =	ssyncset.done $0x0  }
0x1aa: {  	s24 =	rddreg [dreg:$0x1a];
	[sflag:s4] =	ssyncadd.s32 $0xFFFFB1E0  }
0x1ab: {  	[tilespmem:s8], [sflag:$0x3] =	stream.linear.gather [hbm4b:s24+s2], $0x4E20, $0x38;
	[tilespmem:$0x13A00] =	vst v63  }
0x1ac: {  	_ =	swait.ge [sflag:s10], $0x4E20  }
0x1ad: {  	[sflag:s10] =	ssyncset.done $0x0  }
0x1ae: {  	s25 =	rddreg [dreg:$0x1b];
	[sflag:s10] =	ssyncadd.s32 $0xFFFFB1E0  }
0x1af: {  	[hbm4b:s25+s2] =	stream.linear.scatter [tilespmem:s7], [sflag:$0x8], $0x4E20, $0x38;
	[tilespmem:$0x13A00] =	vst v63  }
0x1b0: {  	_ =	swait.ge [sflag:s5], $0x4E20  }
0x1b1: {  	[sflag:s5] =	ssyncset.done $0x0  }
0x1b2: {  	s26 =	rddreg [dreg:$0x1c];
	[sflag:s5] =	ssyncadd.s32 $0xFFFFB1E0  }
0x1b3: {  	[tilespmem:s7], [sflag:$0x4] =	stream.linear.gather [hbm4b:s26+s2], $0x4E20, $0x38;
	[tilespmem:$0x13A00] =	vst v63  }
0x1b4: {  	_ =	swait.ge [sflag:s13], $0x4E20  }
0x1b5: {  	[sflag:s13] =	ssyncset.done $0x0  }
0x1b6: {  	s28 =	rddreg [dreg:$0x1d];
	[sflag:s13] =	ssyncadd.s32 $0xFFFFB1E0  }
0x1b7: {  	[hbm4b:s28+s2] =	stream.linear.scatter [tilespmem:s2], [sflag:$0x5], $0x4E20, $0x38;
	[tilespmem:$0x13A00] =	vst v63  }
0x1b8: {  	_ =	swait.ge [sflag:s12], $0x4E20  }
0x1b9: {  	[sflag:s12] =	ssyncset.done $0x0  }
0x1ba: {  	s29 =	rddreg [dreg:$0x1e];
	[sflag:s12] =	ssyncadd.s32 $0xFFFFB1E0  }
0x1bb: {  	[hbm4b:s29+s2] =	stream.linear.scatter [tilespmem:s9], [sflag:$0x6], $0x4E20, $0x38;
	[tilespmem:$0x13A00] =	vst v63  }
0x1bc: {  	_ =	swait.ge [sflag:s11], $0x4E20  }
0x1bd: {  	[sflag:s11] =	ssyncset.done $0x0  }
0x1be: {  	s30 =	rddreg [dreg:$0x1f];
	[sflag:s11] =	ssyncadd.s32 $0xFFFFB1E0  }
0x1bf: {  	[hbm4b:s30+s2] =	stream.linear.scatter [tilespmem:s8], [sflag:$0x7], $0x4E20, $0x38;
	[tilespmem:$0x13A00] =	vst v63  }
0x1c0: {  	_ =	swait.ge [sflag:s10], $0x4E20  }
0x1c1: {  	s31 =	sld [smem:$0x7FD]  }
0x1c2: {  	[sflag:s10] =	ssyncset.done $0x0  }
0x1c3: {  	[sflag:s10] =	ssyncadd.s32 $0xFFFFB1E0  }
0x1c4: {  	[hbm4b:s31+s2] =	stream.linear.scatter [tilespmem:s7], [sflag:$0x8], $0x4E20, $0x38;
	[tilespmem:$0x13A00] =	vst v63  }
0x1c5: {  	_ =	swait.ge [sflag:s6], $0x4E20  }
0x1c6: {  	[sflag:s6] =	ssyncset.done $0x0  }
0x1c7: {  	s17 =	sadd.s32 $0xFFFFFFFF, s17;
	[sflag:s6] =	ssyncadd.s32 $0xFFFFB1E0  }
0x1c8: {  	p2 =	sne.s32 s17, $0x0;
	_ =	swait.ge [sflag:s3], $0x4E20  }
.Ltmp2:
0x1c9: {  	[sflag:s3] =	ssyncset.done $0x0;
	(pc) =	sbr.rel @p2 .LBB2_2-.Ltmp2, $4  }
0x1ca: {  	[sflag:s3] =	ssyncadd.s32 $0xFFFFB1E0  }
0x1cb: {  	s18 =	sld [smem:$0x7FF];
	_ =	swait.ge [sflag:s4], $0x4E20  }
0x1cc: {  	[sflag:s4] =	ssyncset.done $0x0  }
0x1cd: {  	[sflag:s4] =	ssyncadd.s32 $0xFFFFB1E0  }
.LBB2_3:
0x1ce: {  	p2 =	sne.s32 @!p0 s18, $0x1;
	_ =	swait.ge @p1 [sflag:s5], $0x4E20  }
0x1cf: {  	p2 =	por !p2, p0;
	[sflag:s5] =	ssyncset.done @p1 $0x0  }
0x1d0: {  	s17 =	sor.u32 @!p2 $0x100000, s14;
	[sflag:s5] =	ssyncadd.s32 @p1 $0xFFFFB1E0  }
0x1d1: {  	[smem:s17], [sflag:$0x0] =	smem.add.s32 @!p2 $0xE2;
	s17 =	simm.s32 @!p2 $0x0  }
0x1d2: {  	s18 =	simm.s32 @!p2 $0x1;
	_ =	swait.done @!p2 [sflag:s17]  }
0x1d3: {  	[smem:$0x7FF] =	sst @!p2 s18  }
0x1d4: {  	_ =	sint @!p2 $0x2  }
0x1d5: {  	_ =	swait.notdone @!p2 [sflag:s17]  }
0x1d6: {  	s17 =	sld [smem:$0x7FF];
	_ =	sdelay $0x1  }
0x1d7: {  	[tilespmem:s2], [sflag:$0x1] =	stream.linear.gather [hbm4b:s16+s2], $0x4E20, $0x38;
	[tilespmem:$0x13A00] =	vst v63  }
0x1d8: {  	p1 =	sne.s32 @!p0 s17, $0x1  }
0x1d9: {  	p1 =	por !p1, p0  }
0x1da: {  	s16 =	sor.u32 @!p1 $0x100000, s14  }
0x1db: {  	[smem:s16], [sflag:$0x0] =	smem.add.s32 @!p1 $0xE2;
	s16 =	simm.s32 @!p1 $0x0  }
0x1dc: {  	s17 =	simm.s32 @!p1 $0x1;
	_ =	swait.done @!p1 [sflag:s16]  }
0x1dd: {  	[smem:$0x7FF] =	sst @!p1 s17  }
0x1de: {  	_ =	sint @!p1 $0x2  }
0x1df: {  	_ =	swait.notdone @!p1 [sflag:s16]  }
0x1e0: {  	s16 =	sld [smem:$0x7FF]  }
0x1e1: {  	s31 =	rddreg [dreg:$0x3]  }
0x1e2: {  	[tilespmem:s9], [sflag:$0x2] =	stream.linear.gather [hbm4b:s31+s2], $0x4E20, $0x38;
	[tilespmem:$0x13A00] =	vst v63  }
0x1e3: {  	p1 =	sne.s32 @!p0 s16, $0x1  }
0x1e4: {  	p1 =	por !p1, p0  }
0x1e5: {  	s17 =	sor.u32 @!p1 $0x100000, s14  }
0x1e6: {  	[smem:s17], [sflag:$0x0] =	smem.add.s32 @!p1 $0xE2;
	s17 =	simm.s32 @!p1 $0x0  }
0x1e7: {  	s16 =	simm.s32 @!p1 $0x1;
	_ =	swait.done @!p1 [sflag:s17]  }
0x1e8: {  	[smem:$0x7FF] =	sst @!p1 s16  }
0x1e9: {  	_ =	sint @!p1 $0x2  }
0x1ea: {  	_ =	swait.notdone @!p1 [sflag:s17]  }
0x1eb: {  	s16 =	sld [smem:$0x7FF]  }
0x1ec: {  	s18 =	rddreg [dreg:$0x4]  }
0x1ed: {  	[tilespmem:s8], [sflag:$0x3] =	stream.linear.gather [hbm4b:s18+s2], $0x4E20, $0x38;
	[tilespmem:$0x13A00] =	vst v63  }
0x1ee: {  	p1 =	sne.s32 @!p0 s16, $0x1  }
0x1ef: {  	p1 =	por !p1, p0  }
0x1f0: {  	s17 =	sor.u32 @!p1 $0x100000, s14  }
0x1f1: {  	[smem:s17], [sflag:$0x0] =	smem.add.s32 @!p1 $0xE3;
	s17 =	simm.s32 @!p1 $0x0  }
0x1f2: {  	s16 =	simm.s32 @!p1 $0x1;
	_ =	swait.done @!p1 [sflag:s17]  }
0x1f3: {  	[smem:$0x7FF] =	sst @!p1 s16  }
0x1f4: {  	_ =	sint @!p1 $0x2  }
0x1f5: {  	_ =	swait.notdone @!p1 [sflag:s17]  }
0x1f6: {  	s19 =	rddreg [dreg:$0x5]  }
0x1f7: {  	[tilespmem:s7], [sflag:$0x4] =	stream.linear.gather [hbm4b:s19+s2], $0x4E20, $0x38;
	[tilespmem:$0x13A00] =	vst v63  }
0x1f8: {  	_ =	swait.ge [sflag:s13], $0x4E20  }
0x1f9: {  	[sflag:s13] =	ssyncset.done $0x0  }
0x1fa: {  	[sflag:s13] =	ssyncadd.s32 $0xFFFFB1E0  }
0x1fb: {  	[hbm4b:s15+s2] =	stream.linear.scatter [tilespmem:s2], [sflag:$0x5], $0x4E20, $0x38;
	[tilespmem:$0x13A00] =	vst v63  }
0x1fc: {  	_ =	swait.ge [sflag:s6], $0x4E20  }
0x1fd: {  	s15 =	sld [smem:$0x7FF];
	_ =	sdelay $0x2  }
0x1fe: {  	p1 =	sne.s32 @!p0 s15, $0x1  }
0x1ff: {  	[sflag:s6] =	ssyncset.done $0x0;
	p1 =	por !p1, p0  }
0x200: {  	[sflag:s6] =	ssyncadd.s32 $0xFFFFB1E0;
	s15 =	sor.u32 @!p1 $0x100000, s14  }
0x201: {  	s16 =	simm.s32 @!p1 $0x0;
	[smem:s15], [sflag:$0x0] =	smem.add.s32 @!p1 $0xE7  }
0x202: {  	s15 =	simm.s32 @!p1 $0x1;
	_ =	swait.done @!p1 [sflag:s16]  }
0x203: {  	[smem:$0x7FF] =	sst @!p1 s15  }
0x204: {  	_ =	sint @!p1 $0x2  }
0x205: {  	_ =	swait.notdone @!p1 [sflag:s16]  }
0x206: {  	s20 =	rddreg [dreg:$0x6]  }
0x207: {  	[tilespmem:s2], [sflag:$0x1] =	stream.linear.gather [hbm4b:s20+s2], $0x4E20, $0x38;
	[tilespmem:$0x13A00] =	vst v63  }
0x208: {  	_ =	swait.ge [sflag:s12], $0x4E20  }
0x209: {  	[sflag:s12] =	ssyncset.done $0x0  }
0x20a: {  	s21 =	rddreg [dreg:$0x7];
	[sflag:s12] =	ssyncadd.s32 $0xFFFFB1E0  }
0x20b: {  	[hbm4b:s21+s2] =	stream.linear.scatter [tilespmem:s9], [sflag:$0x6], $0x4E20, $0x38;
	[tilespmem:$0x13A00] =	vst v63  }
0x20c: {  	_ =	swait.ge [sflag:s3], $0x4E20  }
0x20d: {  	s15 =	sld [smem:$0x7FF];
	_ =	sdelay $0x2  }
0x20e: {  	p1 =	sne.s32 @!p0 s15, $0x1  }
0x20f: {  	[sflag:s3] =	ssyncset.done $0x0;
	p1 =	por !p1, p0  }
0x210: {  	[sflag:s3] =	ssyncadd.s32 $0xFFFFB1E0;
	s15 =	sor.u32 @!p1 $0x100000, s14  }
0x211: {  	s16 =	simm.s32 @!p1 $0x0;
	[smem:s15], [sflag:$0x0] =	smem.add.s32 @!p1 $0xEB  }
0x212: {  	s15 =	simm.s32 @!p1 $0x1;
	_ =	swait.done @!p1 [sflag:s16]  }
0x213: {  	[smem:$0x7FF] =	sst @!p1 s15  }
0x214: {  	_ =	sint @!p1 $0x2  }
0x215: {  	_ =	swait.notdone @!p1 [sflag:s16]  }
0x216: {  	s22 =	rddreg [dreg:$0x8]  }
0x217: {  	[tilespmem:s9], [sflag:$0x2] =	stream.linear.gather [hbm4b:s22+s2], $0x4E20, $0x38;
	[tilespmem:$0x13A00] =	vst v63  }
0x218: {  	_ =	swait.ge [sflag:s11], $0x4E20  }
0x219: {  	[sflag:s11] =	ssyncset.done $0x0  }
0x21a: {  	s23 =	rddreg [dreg:$0x9];
	[sflag:s11] =	ssyncadd.s32 $0xFFFFB1E0  }
0x21b: {  	[hbm4b:s23+s2] =	stream.linear.scatter [tilespmem:s8], [sflag:$0x7], $0x4E20, $0x38;
	[tilespmem:$0x13A00] =	vst v63  }
0x21c: {  	_ =	swait.ge [sflag:s4], $0x4E20  }
0x21d: {  	s15 =	sld [smem:$0x7FF];
	_ =	sdelay $0x2  }
0x21e: {  	p1 =	sne.s32 @!p0 s15, $0x1  }
0x21f: {  	[sflag:s4] =	ssyncset.done $0x0;
	p1 =	por !p1, p0  }
0x220: {  	[sflag:s4] =	ssyncadd.s32 $0xFFFFB1E0;
	s15 =	sor.u32 @!p1 $0x100000, s14  }
0x221: {  	s16 =	simm.s32 @!p1 $0x0;
	[smem:s15], [sflag:$0x0] =	smem.add.s32 @!p1 $0xEF  }
0x222: {  	s15 =	simm.s32 @!p1 $0x1;
	_ =	swait.done @!p1 [sflag:s16]  }
0x223: {  	[smem:$0x7FF] =	sst @!p1 s15  }
0x224: {  	_ =	sint @!p1 $0x2  }
0x225: {  	_ =	swait.notdone @!p1 [sflag:s16]  }
0x226: {  	s24 =	rddreg [dreg:$0xa]  }
0x227: {  	[tilespmem:s8], [sflag:$0x3] =	stream.linear.gather [hbm4b:s24+s2], $0x4E20, $0x38;
	[tilespmem:$0x13A00] =	vst v63  }
0x228: {  	_ =	swait.ge [sflag:s10], $0x4E20  }
0x229: {  	[sflag:s10] =	ssyncset.done $0x0  }
0x22a: {  	s25 =	rddreg [dreg:$0xb];
	[sflag:s10] =	ssyncadd.s32 $0xFFFFB1E0  }
0x22b: {  	[hbm4b:s25+s2] =	stream.linear.scatter [tilespmem:s7], [sflag:$0x8], $0x4E20, $0x38;
	[tilespmem:$0x13A00] =	vst v63  }
0x22c: {  	_ =	swait.ge [sflag:s5], $0x4E20  }
0x22d: {  	s15 =	sld [smem:$0x7FF];
	_ =	sdelay $0x2  }
0x22e: {  	p1 =	sne.s32 @!p0 s15, $0x1  }
0x22f: {  	[sflag:s5] =	ssyncset.done $0x0;
	p0 =	por !p1, p0  }
0x230: {  	[sflag:s5] =	ssyncadd.s32 $0xFFFFB1E0;
	s14 =	sor.u32 @!p0 $0x100000, s14  }
0x231: {  	s15 =	simm.s32 @!p0 $0x0;
	[smem:s14], [sflag:$0x0] =	smem.add.s32 @!p0 $0xF3  }
0x232: {  	s14 =	simm.s32 @!p0 $0x1;
	_ =	swait.done @!p0 [sflag:s15]  }
0x233: {  	[smem:$0x7FF] =	sst @!p0 s14  }
0x234: {  	_ =	sint @!p0 $0x2  }
0x235: {  	_ =	swait.notdone @!p0 [sflag:s15]  }
0x236: {  	s26 =	rddreg [dreg:$0xc]  }
0x237: {  	[tilespmem:s7], [sflag:$0x4] =	stream.linear.gather [hbm4b:s26+s2], $0x4E20, $0x38;
	[tilespmem:$0x13A00] =	vst v63  }
0x238: {  	_ =	swait.ge [sflag:s13], $0x4E20  }
0x239: {  	[sflag:s13] =	ssyncset.done $0x0  }
0x23a: {  	s28 =	rddreg [dreg:$0xd];
	[sflag:s13] =	ssyncadd.s32 $0xFFFFB1E0  }
0x23b: {  	[hbm4b:s28+s2] =	stream.linear.scatter [tilespmem:s2], [sflag:$0x5], $0x4E20, $0x38;
	[tilespmem:$0x13A00] =	vst v63  }
0x23c: {  	_ =	swait.ge [sflag:s6], $0x4E20  }
0x23d: {  	[sflag:s6] =	ssyncset.done $0x0  }
0x23e: {  	s29 =	rddreg [dreg:$0xe];
	[sflag:s6] =	ssyncadd.s32 $0xFFFFB1E0  }
0x23f: {  	[tilespmem:s2], [sflag:$0x1] =	stream.linear.gather [hbm4b:s29+s2], $0x4E20, $0x38;
	[tilespmem:$0x13A00] =	vst v63  }
0x240: {  	_ =	swait.ge [sflag:s12], $0x4E20  }
0x241: {  	[sflag:s12] =	ssyncset.done $0x0  }
0x242: {  	s30 =	rddreg [dreg:$0xf];
	[sflag:s12] =	ssyncadd.s32 $0xFFFFB1E0  }
0x243: {  	[hbm4b:s30+s2] =	stream.linear.scatter [tilespmem:s9], [sflag:$0x6], $0x4E20, $0x38;
	[tilespmem:$0x13A00] =	vst v63  }
0x244: {  	_ =	swait.ge [sflag:s3], $0x4E20  }
0x245: {  	[sflag:s3] =	ssyncset.done $0x0  }
0x246: {  	s31 =	rddreg [dreg:$0x10];
	[sflag:s3] =	ssyncadd.s32 $0xFFFFB1E0  }
0x247: {  	[tilespmem:s9], [sflag:$0x2] =	stream.linear.gather [hbm4b:s31+s2], $0x4E20, $0x38;
	[tilespmem:$0x13A00] =	vst v63  }
0x248: {  	_ =	swait.ge [sflag:s11], $0x4E20  }
0x249: {  	[sflag:s11] =	ssyncset.done $0x0  }
0x24a: {  	s15 =	rddreg [dreg:$0x11];
	[sflag:s11] =	ssyncadd.s32 $0xFFFFB1E0  }
0x24b: {  	[hbm4b:s15+s2] =	stream.linear.scatter [tilespmem:s8], [sflag:$0x7], $0x4E20, $0x38;
	[tilespmem:$0x13A00] =	vst v63  }
0x24c: {  	_ =	swait.ge [sflag:s4], $0x4E20  }
0x24d: {  	[sflag:s4] =	ssyncset.done $0x0  }
0x24e: {  	s16 =	rddreg [dreg:$0x12];
	[sflag:s4] =	ssyncadd.s32 $0xFFFFB1E0  }
0x24f: {  	[tilespmem:s8], [sflag:$0x3] =	stream.linear.gather [hbm4b:s16+s2], $0x4E20, $0x38;
	[tilespmem:$0x13A00] =	vst v63  }
0x250: {  	_ =	swait.ge [sflag:s10], $0x4E20  }
0x251: {  	[sflag:s10] =	ssyncset.done $0x0  }
0x252: {  	s17 =	rddreg [dreg:$0x13];
	[sflag:s10] =	ssyncadd.s32 $0xFFFFB1E0  }
0x253: {  	[hbm4b:s17+s2] =	stream.linear.scatter [tilespmem:s7], [sflag:$0x8], $0x4E20, $0x38;
	[tilespmem:$0x13A00] =	vst v63  }
0x254: {  	_ =	swait.ge [sflag:s5], $0x4E20  }
0x255: {  	[sflag:s5] =	ssyncset.done $0x0  }
0x256: {  	s18 =	rddreg [dreg:$0x14];
	[sflag:s5] =	ssyncadd.s32 $0xFFFFB1E0  }
0x257: {  	[tilespmem:s7], [sflag:$0x4] =	stream.linear.gather [hbm4b:s18+s2], $0x4E20, $0x38;
	[tilespmem:$0x13A00] =	vst v63  }
0x258: {  	_ =	swait.ge [sflag:s13], $0x4E20  }
0x259: {  	[sflag:s13] =	ssyncset.done $0x0  }
0x25a: {  	s19 =	rddreg [dreg:$0x15];
	[sflag:s13] =	ssyncadd.s32 $0xFFFFB1E0  }
0x25b: {  	[hbm4b:s19+s2] =	stream.linear.scatter [tilespmem:s2], [sflag:$0x5], $0x4E20, $0x38;
	[tilespmem:$0x13A00] =	vst v63  }
0x25c: {  	_ =	swait.ge [sflag:s6], $0x4E20  }
0x25d: {  	[sflag:s6] =	ssyncset.done $0x0  }
0x25e: {  	s20 =	rddreg [dreg:$0x16];
	[sflag:s6] =	ssyncadd.s32 $0xFFFFB1E0  }
0x25f: {  	[tilespmem:s2], [sflag:$0x1] =	stream.linear.gather [hbm4b:s20+s2], $0x4E20, $0x38;
	[tilespmem:$0x13A00] =	vst v63  }
0x260: {  	_ =	swait.ge [sflag:s12], $0x4E20  }
0x261: {  	[sflag:s12] =	ssyncset.done $0x0  }
0x262: {  	s21 =	rddreg [dreg:$0x17];
	[sflag:s12] =	ssyncadd.s32 $0xFFFFB1E0  }
0x263: {  	[hbm4b:s21+s2] =	stream.linear.scatter [tilespmem:s9], [sflag:$0x6], $0x4E20, $0x38;
	[tilespmem:$0x13A00] =	vst v63  }
0x264: {  	_ =	swait.ge [sflag:s3], $0x4E20  }
0x265: {  	[sflag:s3] =	ssyncset.done $0x0  }
0x266: {  	s22 =	rddreg [dreg:$0x18];
	[sflag:s3] =	ssyncadd.s32 $0xFFFFB1E0  }
0x267: {  	[tilespmem:s9], [sflag:$0x2] =	stream.linear.gather [hbm4b:s22+s2], $0x4E20, $0x38;
	[tilespmem:$0x13A00] =	vst v63  }
0x268: {  	_ =	swait.ge [sflag:s11], $0x4E20  }
0x269: {  	[sflag:s11] =	ssyncset.done $0x0  }
0x26a: {  	s23 =	rddreg [dreg:$0x19];
	[sflag:s11] =	ssyncadd.s32 $0xFFFFB1E0  }
0x26b: {  	[hbm4b:s23+s2] =	stream.linear.scatter [tilespmem:s8], [sflag:$0x7], $0x4E20, $0x38;
	[tilespmem:$0x13A00] =	vst v63  }
0x26c: {  	_ =	swait.ge [sflag:s4], $0x4E20  }
0x26d: {  	[sflag:s4] =	ssyncset.done $0x0  }
0x26e: {  	s24 =	rddreg [dreg:$0x1a];
	[sflag:s4] =	ssyncadd.s32 $0xFFFFB1E0  }
0x26f: {  	[tilespmem:s8], [sflag:$0x3] =	stream.linear.gather [hbm4b:s24+s2], $0x4E20, $0x38;
	[tilespmem:$0x13A00] =	vst v63  }
0x270: {  	_ =	swait.ge [sflag:s10], $0x4E20  }
0x271: {  	[sflag:s10] =	ssyncset.done $0x0  }
0x272: {  	s25 =	rddreg [dreg:$0x1b];
	[sflag:s10] =	ssyncadd.s32 $0xFFFFB1E0  }
0x273: {  	[hbm4b:s25+s2] =	stream.linear.scatter [tilespmem:s7], [sflag:$0x8], $0x4E20, $0x38;
	[tilespmem:$0x13A00] =	vst v63  }
0x274: {  	_ =	swait.ge [sflag:s5], $0x4E20  }
0x275: {  	[sflag:s5] =	ssyncset.done $0x0  }
0x276: {  	s26 =	rddreg [dreg:$0x1c];
	[sflag:s5] =	ssyncadd.s32 $0xFFFFB1E0  }
0x277: {  	[tilespmem:s7], [sflag:$0x4] =	stream.linear.gather [hbm4b:s26+s2], $0x4E20, $0x38;
	[tilespmem:$0x13A00] =	vst v63  }
0x278: {  	_ =	swait.ge [sflag:s13], $0x4E20  }
0x279: {  	[sflag:s13] =	ssyncset.done $0x0  }
0x27a: {  	s28 =	rddreg [dreg:$0x1d];
	[sflag:s13] =	ssyncadd.s32 $0xFFFFB1E0  }
0x27b: {  	[hbm4b:s28+s2] =	stream.linear.scatter [tilespmem:s2], [sflag:$0x5], $0x4E20, $0x38;
	[tilespmem:$0x13A00] =	vst v63  }
0x27c: {  	_ =	swait.ge [sflag:s12], $0x4E20  }
0x27d: {  	[sflag:s12] =	ssyncset.done $0x0  }
0x27e: {  	s29 =	rddreg [dreg:$0x1e];
	[sflag:s12] =	ssyncadd.s32 $0xFFFFB1E0  }
0x27f: {  	[hbm4b:s29+s2] =	stream.linear.scatter [tilespmem:s9], [sflag:$0x6], $0x4E20, $0x38;
	[tilespmem:$0x13A00] =	vst v63  }
0x280: {  	_ =	swait.ge [sflag:s11], $0x4E20  }
0x281: {  	[sflag:s11] =	ssyncset.done $0x0  }
0x282: {  	s30 =	rddreg [dreg:$0x1f];
	[sflag:s11] =	ssyncadd.s32 $0xFFFFB1E0  }
0x283: {  	[hbm4b:s30+s2] =	stream.linear.scatter [tilespmem:s8], [sflag:$0x7], $0x4E20, $0x38;
	[tilespmem:$0x13A00] =	vst v63  }
0x284: {  	_ =	swait.ge [sflag:s10], $0x4E20  }
0x285: {  	s31 =	sld [smem:$0x7FD]  }
0x286: {  	[sflag:s10] =	ssyncset.done $0x0  }
0x287: {  	[sflag:s10] =	ssyncadd.s32 $0xFFFFB1E0  }
0x288: {  	[hbm4b:s31+s2] =	stream.linear.scatter [tilespmem:s7], [sflag:$0x8], $0x4E20, $0x38;
	[tilespmem:$0x13A00] =	vst v63  }
0x289: {  	_ =	swait.ge [sflag:s6], $0x4E20  }
0x28a: {  	[sflag:s6] =	ssyncset.done $0x0  }
0x28b: {  	[sflag:s6] =	ssyncadd.s32 $0xFFFFB1E0  }
0x28c: {  	_ =	swait.ge [sflag:s3], $0x4E20  }
0x28d: {  	[sflag:s3] =	ssyncset.done $0x0  }
0x28e: {  	[sflag:s3] =	ssyncadd.s32 $0xFFFFB1E0  }
0x28f: {  	_ =	swait.ge [sflag:s4], $0x4E20  }
0x290: {  	[sflag:s4] =	ssyncset.done $0x0  }
0x291: {  	[sflag:s4] =	ssyncadd.s32 $0xFFFFB1E0  }
0x292: {  	_ =	swait.ge [sflag:s5], $0x4E20  }
0x293: {  	[sflag:s5] =	ssyncset.done $0x0  }
0x294: {  	[sflag:s5] =	ssyncadd.s32 $0xFFFFB1E0  }
0x295: {  	_ =	sfence.sel $0x180000  }
0x296: {  	[bflag:$0x0] =	sbarrier.arrive $0xFFFF  }
0x297: {  	p0 =	sne.s32 s0, $0x0;
	_ =	strace $0x90000047  }
0x298: {  	s0 =	sadd.s32 @!p0 $0x100000, s1;
	[bflag:$0x2] =	sbarrier.arrive $0xFFFF  }
0x299: {  	[sflag:s0] =	ssyncadd.tile.s32 @!p0 $0x1;
	_ =	shalt  }
.Lfunc_end2:
_tile_overlayer_lowered:
.L_overlay_start_2:
0x29a: {  	(tag) =	ssettag $0x2  }
0x29b: {  	s0 =	rddreg [dreg:$0x0];
	s2 =	stileid.u32  }
0x29c: {  	s1 =	rddreg [dreg:$0x1];
	p0 =	sne.s32 s2, $0x0  }
0x29d: {  	s3 =	rddreg [dreg:$0x2];
	[bflag:$0x3] =	sbarrier.arrive $0xFFFF;
	s2 =	simm.s32 @!p0 $0x1C09  }
0x29e: {  	[timem:s3], [sflag:s2] =	dma.local @!p0 [hbm:s0], s1  }
0x29f: {  	s0 =	simm.s32 @!p0 $0x9  }
0x2a0: {  	_ =	swait.ge @!p0 [sflag:s0], s1  }
0x2a1: {  	s1 =	ssub.s32 @!p0 $0x0, s1;
	[sflag:s0] =	ssyncset.done @!p0 $0x0  }
0x2a2: {  	[sflag:s0] =	ssyncadd.s32 @!p0 s1  }
0x2a3: {  	[bflag:$0x3] =	sbarrier.arrive $0xFFFF  }
0x2a4: {  	_ =	shalt  }

</sc_bundles>
